<compile_context>
chip_gen: v7x
topology: tpu7x:2x2x1
jax: 0.10.2.dev20260603
libtpu: 0.0.44.dev20260713+nightly
codegen_flags: <defaults>
</compile_context>

<pallas_src>
import functools

import jax
import jax.numpy as jnp
from jax import lax
from jax.experimental import pallas as pl
from jax.experimental.pallas import tpu as pltpu
from jax.experimental.pallas import tpu_sc as plsc

B = 4096
BX = 64
BY = 64
NKEY = BX * BY
NWORDS = NKEY * B

NC = 2
NS = 16
NW = NC * NS
KPW = NKEY // NW
WPW = KPW * B

NBUF = 4
CW = 16384
NCH = WPW // CW
NGRP = NCH // NBUF

_mesh = plsc.VectorSubcoreMesh(
    core_axis_name="c", subcore_axis_name="s", num_cores=NC, num_subcores=NS
)


@functools.partial(
    pl.kernel,
    out_type=jax.ShapeDtypeStruct((NWORDS,), jnp.int32),
    mesh=_mesh,
    compiler_params=pltpu.CompilerParams(needs_layout_passes=False),
    scratch_types=[
        pltpu.VMEM((B * 2,), jnp.int32),
        pltpu.VMEM((B + 16,), jnp.int32),
        *[pltpu.VMEM((CW,), jnp.int32) for _ in range(NBUF)],
        *[pltpu.SemaphoreType.DMA for _ in range(NBUF)],
        pltpu.SemaphoreType.DMA,
    ],
)
def _onehot2d_sc(xy_hbm, out_hbm, xy_v, ml_v, *bufsems):
    bufs = bufsems[:NBUF]
    sems = bufsems[NBUF:2 * NBUF]
    lsem = bufsems[2 * NBUF]
    wid = lax.axis_index("s") * NC + lax.axis_index("c")
    klo = wid * KPW
    wbase = wid * WPW

    iota = lax.iota(jnp.int32, 16)
    zv = jnp.zeros((16,), jnp.int32)
    ones = jnp.full((16,), 1, jnp.int32)

    stage = pltpu.async_copy(xy_hbm, xy_v, lsem)

    def _zero(buf):
        def body(i, c):
            for u in range(8):
                buf[pl.ds(i * 128 + u * 16, 16)] = zv
            return c
        lax.fori_loop(0, CW // 128, body, 0)

    _zero(bufs[0])
    _zero(bufs[1])
    stage.wait()

    def _scan1(i, off):
        base = i * 16 + (i // 8) * 128
        xv = xy_v[pl.ds(base, 16)]
        yv = xy_v[pl.ds(base + 128, 16)]
        key = xv * BY + yv
        m = (key >= klo) & (key < klo + KPW)
        mw = (key - klo) * B + iota + i * 16
        plsc.store_compressed(ml_v.at[pl.ds(off, 16)], mw, mask=m)
        cnt = plsc.all_reduce_population_count(m)
        return off + cnt[0]

    def _scan(i, off):
        off = _scan1(2 * i, off)
        return _scan1(2 * i + 1, off)

    nmatch = lax.fori_loop(0, B // 32, _scan, 0)
    ml_v[pl.ds(nmatch, 16)] = jnp.full((16,), -1, jnp.int32)
    ngrp = (nmatch + 15) // 16

    def _paint(buf, lo):
        def body(i, c):
            mv = ml_v[pl.ds(i * 16, 16)]
            m0 = (mv >= lo - NBUF * CW) & (mv < lo - (NBUF - 1) * CW)
            i0 = lax.select(m0, mv - (lo - NBUF * CW), zv)
            plsc.store_scatter(buf, [i0], zv, mask=m0)
            m1 = (mv >= lo) & (mv < lo + CW)
            i1 = lax.select(m1, mv - lo, zv)
            plsc.store_scatter(buf, [i1], ones, mask=m1)
            return c
        lax.fori_loop(0, ngrp, body, 0)

    def _drain(buf, sem):
        pltpu.make_async_copy(buf, out_hbm.at[pl.ds(wbase, CW)], sem).wait()

    for u in range(NBUF):
        if u >= 2:
            _zero(bufs[u])
        _paint(bufs[u], u * CW)
        pltpu.async_copy(bufs[u], out_hbm.at[pl.ds(wbase + u * CW, CW)], sems[u])

    def _group(g, c):
        for u in range(NBUF):
            lo = (g * NBUF + u) * CW
            _drain(bufs[u], sems[u])
            _paint(bufs[u], lo)
            pltpu.async_copy(bufs[u], out_hbm.at[pl.ds(wbase + lo, CW)], sems[u])
        return c

    lax.fori_loop(1, NGRP, _group, 0)

    for u in range(NBUF):
        _drain(bufs[u], sems[u])


def kernel(loc):
    xy = loc.reshape(32, 128, 2).transpose(0, 2, 1).reshape(-1)
    flat = _onehot2d_sc(xy)
    return flat.reshape(BX, BY, B, 1).transpose(2, 0, 1, 3)

# --- scband reference (transcript-rebuilt; emitter-appended) ---
"""Pipeline reference for scband-loc-embedding-23811298689038 (READ-ONLY COPY).

The authoritative reference and input builder live on the scoring server;
editing this copy changes nothing except your own understanding.
"""

import jax, jax.numpy as jnp
import numpy as np

BOX_SIZE = (64, 64)


def setup_inputs(seed: int = 0) -> dict:
    key = jax.random.key(seed)
    loc = jax.random.randint(key, (4096, 2), 0, 64, dtype=jnp.int32)
    return {"loc": loc}


def one_hot2d(loc, box_size):
    # Faithful translation of the torch one_hot2d:
    # x_hot = one_hot(x, bx)[..., None]; scatter along last dim at index y
    # => z[b, i, j] = 1 iff i == x[b] and j == y[b]
    x = loc[..., 0]
    y = loc[..., 1]
    bx, by = box_size
    batch = x.shape[0]
    z = jnp.zeros((batch, bx, by), dtype=jnp.int32)
    b = jnp.arange(batch)
    z = z.at[b, x, y].set(1)
    return z


def reference(loc):
    z = one_hot2d(loc, BOX_SIZE)
    return z[..., None]

if __name__ == "__main__":
    import jax
    _d = setup_inputs()
    print(jax.jit(kernel)(*tuple(_d.values())))

</pallas_src>

<mosaic_0001>
#map = affine_map<(d0, d1) -> (0)>
module attributes {stable_mosaic.version = 14 : i64} {
  func.func @_onehot2d_sc(%arg0: i32, %arg1: i32, %arg2: memref<8192xi32, #tpu.memory_space<hbm>>, %arg3: memref<16777216xi32, #tpu.memory_space<hbm>>, %arg4: memref<8192xi32, #tpu.memory_space<vmem>>, %arg5: memref<4112xi32, #tpu.memory_space<vmem>>, %arg6: memref<16384xi32, #tpu.memory_space<vmem>>, %arg7: memref<16384xi32, #tpu.memory_space<vmem>>, %arg8: memref<16384xi32, #tpu.memory_space<vmem>>, %arg9: memref<16384xi32, #tpu.memory_space<vmem>>, %arg10: memref<!tpu.dma_semaphore, #tpu.memory_space<semaphore_mem>>, %arg11: memref<!tpu.dma_semaphore, #tpu.memory_space<semaphore_mem>>, %arg12: memref<!tpu.dma_semaphore, #tpu.memory_space<semaphore_mem>>, %arg13: memref<!tpu.dma_semaphore, #tpu.memory_space<semaphore_mem>>, %arg14: memref<!tpu.dma_semaphore, #tpu.memory_space<semaphore_mem>>) attributes {dimension_semantics = [#tpu.dimension_semantics<core_parallel>, #tpu.dimension_semantics<subcore_parallel>], iteration_bounds = array<i64: 2, 16>, scalar_prefetch = 0 : i64, scratch_operands = 11 : i64, tpu.core_type = #tpu.core_type<sc_vector_subcore>, window_params = [{transform_indices = #map}, {transform_indices = #map}]} {
    %mul3A = arith.constant 2 : i32
    %mul3A_0 = arith.muli %arg1, %mul3A : i32
    %add3A = arith.addi %mul3A_0, %arg0 : i32
    %mul3A_1 = arith.constant 128 : i32
    %mul3A_2 = arith.muli %add3A, %mul3A_1 : i32
    %mul3A_3 = arith.constant 524288 : i32
    %mul3A_4 = arith.muli %add3A, %mul3A_3 : i32
    %iota3A = tpu.iota {dimensions = array<i32: 0>} : vector<16xi32>
    %broadcast_in_dim3A = arith.constant 0 : i32
    %broadcast_in_dim3A_5 = vector.broadcast %broadcast_in_dim3A : i32 to vector<16xi32>
    %broadcast_in_dim3A_6 = arith.constant 1 : i32
    %broadcast_in_dim3A_7 = vector.broadcast %broadcast_in_dim3A_6 : i32 to vector<16xi32>
    tpu.enqueue_dma source(%arg2 : memref<8192xi32, #tpu.memory_space<hbm>>) target(%arg4 : memref<8192xi32, #tpu.memory_space<vmem>>) target_semaphore(%arg14 : memref<!tpu.dma_semaphore, #tpu.memory_space<semaphore_mem>>)
    %scan3A = arith.constant 0 : i32
    %scan3A_8 = arith.constant 0 : i32
    %scan3A_9 = arith.constant 128 : i32
    %scan3A_10 = arith.addi %scan3A_8, %scan3A_9 : i32
    %scan3A_11 = arith.constant 1 : i32
    scf.for %scan3A_126 = %scan3A_8 to %scan3A_10 step %scan3A_11  : i32 {
      %mul3A_127 = arith.constant 128 : i32
      %mul3A_128 = arith.muli %scan3A_126, %mul3A_127 : i32
      %add3A_129 = arith.constant 0 : i32
      %add3A_130 = arith.addi %mul3A_128, %add3A_129 : i32
      %swap3A_131 = arith.index_cast %add3A_130 : i32 to index
      %swap3A_132 = tpu.vector_load %arg6[%swap3A_131] {strides = array<i32>} : memref<16384xi32, #tpu.memory_space<vmem>>, vector<16xi32>,
      tpu.vector_store %arg6[%swap3A_131], %broadcast_in_dim3A_5 {strides = array<i32>} : memref<16384xi32, #tpu.memory_space<vmem>>, vector<16xi32>,
      %mul3A_133 = arith.constant 128 : i32
      %mul3A_134 = arith.muli %scan3A_126, %mul3A_133 : i32
      %add3A_135 = arith.constant 16 : i32
      %add3A_136 = arith.addi %mul3A_134, %add3A_135 : i32
      %swap3A_137 = arith.index_cast %add3A_136 : i32 to index
      %swap3A_138 = tpu.vector_load %arg6[%swap3A_137] {strides = array<i32>} : memref<16384xi32, #tpu.memory_space<vmem>>, vector<16xi32>,
      tpu.vector_store %arg6[%swap3A_137], %broadcast_in_dim3A_5 {strides = array<i32>} : memref<16384xi32, #tpu.memory_space<vmem>>, vector<16xi32>,
      %mul3A_139 = arith.constant 128 : i32
      %mul3A_140 = arith.muli %scan3A_126, %mul3A_139 : i32
      %add3A_141 = arith.constant 32 : i32
      %add3A_142 = arith.addi %mul3A_140, %add3A_141 : i32
      %swap3A_143 = arith.index_cast %add3A_142 : i32 to index
      %swap3A_144 = tpu.vector_load %arg6[%swap3A_143] {strides = array<i32>} : memref<16384xi32, #tpu.memory_space<vmem>>, vector<16xi32>,
      tpu.vector_store %arg6[%swap3A_143], %broadcast_in_dim3A_5 {strides = array<i32>} : memref<16384xi32, #tpu.memory_space<vmem>>, vector<16xi32>,
      %mul3A_145 = arith.constant 128 : i32
      %mul3A_146 = arith.muli %scan3A_126, %mul3A_145 : i32
      %add3A_147 = arith.constant 48 : i32
      %add3A_148 = arith.addi %mul3A_146, %add3A_147 : i32
      %swap3A_149 = arith.index_cast %add3A_148 : i32 to index
      %swap3A_150 = tpu.vector_load %arg6[%swap3A_149] {strides = array<i32>} : memref<16384xi32, #tpu.memory_space<vmem>>, vector<16xi32>,
      tpu.vector_store %arg6[%swap3A_149], %broadcast_in_dim3A_5 {strides = array<i32>} : memref<16384xi32, #tpu.memory_space<vmem>>, vector<16xi32>,
      %mul3A_151 = arith.constant 128 : i32
      %mul3A_152 = arith.muli %scan3A_126, %mul3A_151 : i32
      %add3A_153 = arith.constant 64 : i32
      %add3A_154 = arith.addi %mul3A_152, %add3A_153 : i32
      %swap3A_155 = arith.index_cast %add3A_154 : i32 to index
      %swap3A_156 = tpu.vector_load %arg6[%swap3A_155] {strides = array<i32>} : memref<16384xi32, #tpu.memory_space<vmem>>, vector<16xi32>,
      tpu.vector_store %arg6[%swap3A_155], %broadcast_in_dim3A_5 {strides = array<i32>} : memref<16384xi32, #tpu.memory_space<vmem>>, vector<16xi32>,
      %mul3A_157 = arith.constant 128 : i32
      %mul3A_158 = arith.muli %scan3A_126, %mul3A_157 : i32
      %add3A_159 = arith.constant 80 : i32
      %add3A_160 = arith.addi %mul3A_158, %add3A_159 : i32
      %swap3A_161 = arith.index_cast %add3A_160 : i32 to index
      %swap3A_162 = tpu.vector_load %arg6[%swap3A_161] {strides = array<i32>} : memref<16384xi32, #tpu.memory_space<vmem>>, vector<16xi32>,
      tpu.vector_store %arg6[%swap3A_161], %broadcast_in_dim3A_5 {strides = array<i32>} : memref<16384xi32, #tpu.memory_space<vmem>>, vector<16xi32>,
      %mul3A_163 = arith.constant 128 : i32
      %mul3A_164 = arith.muli %scan3A_126, %mul3A_163 : i32
      %add3A_165 = arith.constant 96 : i32
      %add3A_166 = arith.addi %mul3A_164, %add3A_165 : i32
      %swap3A_167 = arith.index_cast %add3A_166 : i32 to index
      %swap3A_168 = tpu.vector_load %arg6[%swap3A_167] {strides = array<i32>} : memref<16384xi32, #tpu.memory_space<vmem>>, vector<16xi32>,
      tpu.vector_store %arg6[%swap3A_167], %broadcast_in_dim3A_5 {strides = array<i32>} : memref<16384xi32, #tpu.memory_space<vmem>>, vector<16xi32>,
      %mul3A_169 = arith.constant 128 : i32
      %mul3A_170 = arith.muli %scan3A_126, %mul3A_169 : i32
      %add3A_171 = arith.constant 112 : i32
      %add3A_172 = arith.addi %mul3A_170, %add3A_171 : i32
      %swap3A_173 = arith.index_cast %add3A_172 : i32 to index
      %swap3A_174 = tpu.vector_load %arg6[%swap3A_173] {strides = array<i32>} : memref<16384xi32, #tpu.memory_space<vmem>>, vector<16xi32>,
      tpu.vector_store %arg6[%swap3A_173], %broadcast_in_dim3A_5 {strides = array<i32>} : memref<16384xi32, #tpu.memory_space<vmem>>, vector<16xi32>,
    }
    %scan3A_12 = arith.constant 128 : i32
    %scan3A_13 = arith.constant 0 : i32
    %scan3A_14 = arith.constant 0 : i32
    %scan3A_15 = arith.constant 128 : i32
    %scan3A_16 = arith.addi %scan3A_14, %scan3A_15 : i32
    %scan3A_17 = arith.constant 1 : i32
    scf.for %scan3A_126 = %scan3A_14 to %scan3A_16 step %scan3A_17  : i32 {
      %mul3A_127 = arith.constant 128 : i32
      %mul3A_128 = arith.muli %scan3A_126, %mul3A_127 : i32
      %add3A_129 = arith.constant 0 : i32
      %add3A_130 = arith.addi %mul3A_128, %add3A_129 : i32
      %swap3A_131 = arith.index_cast %add3A_130 : i32 to index
      %swap3A_132 = tpu.vector_load %arg7[%swap3A_131] {strides = array<i32>} : memref<16384xi32, #tpu.memory_space<vmem>>, vector<16xi32>,
      tpu.vector_store %arg7[%swap3A_131], %broadcast_in_dim3A_5 {strides = array<i32>} : memref<16384xi32, #tpu.memory_space<vmem>>, vector<16xi32>,
      %mul3A_133 = arith.constant 128 : i32
      %mul3A_134 = arith.muli %scan3A_126, %mul3A_133 : i32
      %add3A_135 = arith.constant 16 : i32
      %add3A_136 = arith.addi %mul3A_134, %add3A_135 : i32
      %swap3A_137 = arith.index_cast %add3A_136 : i32 to index
      %swap3A_138 = tpu.vector_load %arg7[%swap3A_137] {strides = array<i32>} : memref<16384xi32, #tpu.memory_space<vmem>>, vector<16xi32>,
      tpu.vector_store %arg7[%swap3A_137], %broadcast_in_dim3A_5 {strides = array<i32>} : memref<16384xi32, #tpu.memory_space<vmem>>, vector<16xi32>,
      %mul3A_139 = arith.constant 128 : i32
      %mul3A_140 = arith.muli %scan3A_126, %mul3A_139 : i32
      %add3A_141 = arith.constant 32 : i32
      %add3A_142 = arith.addi %mul3A_140, %add3A_141 : i32
      %swap3A_143 = arith.index_cast %add3A_142 : i32 to index
      %swap3A_144 = tpu.vector_load %arg7[%swap3A_143] {strides = array<i32>} : memref<16384xi32, #tpu.memory_space<vmem>>, vector<16xi32>,
      tpu.vector_store %arg7[%swap3A_143], %broadcast_in_dim3A_5 {strides = array<i32>} : memref<16384xi32, #tpu.memory_space<vmem>>, vector<16xi32>,
      %mul3A_145 = arith.constant 128 : i32
      %mul3A_146 = arith.muli %scan3A_126, %mul3A_145 : i32
      %add3A_147 = arith.constant 48 : i32
      %add3A_148 = arith.addi %mul3A_146, %add3A_147 : i32
      %swap3A_149 = arith.index_cast %add3A_148 : i32 to index
      %swap3A_150 = tpu.vector_load %arg7[%swap3A_149] {strides = array<i32>} : memref<16384xi32, #tpu.memory_space<vmem>>, vector<16xi32>,
      tpu.vector_store %arg7[%swap3A_149], %broadcast_in_dim3A_5 {strides = array<i32>} : memref<16384xi32, #tpu.memory_space<vmem>>, vector<16xi32>,
      %mul3A_151 = arith.constant 128 : i32
      %mul3A_152 = arith.muli %scan3A_126, %mul3A_151 : i32
      %add3A_153 = arith.constant 64 : i32
      %add3A_154 = arith.addi %mul3A_152, %add3A_153 : i32
      %swap3A_155 = arith.index_cast %add3A_154 : i32 to index
      %swap3A_156 = tpu.vector_load %arg7[%swap3A_155] {strides = array<i32>} : memref<16384xi32, #tpu.memory_space<vmem>>, vector<16xi32>,
      tpu.vector_store %arg7[%swap3A_155], %broadcast_in_dim3A_5 {strides = array<i32>} : memref<16384xi32, #tpu.memory_space<vmem>>, vector<16xi32>,
      %mul3A_157 = arith.constant 128 : i32
      %mul3A_158 = arith.muli %scan3A_126, %mul3A_157 : i32
      %add3A_159 = arith.constant 80 : i32
      %add3A_160 = arith.addi %mul3A_158, %add3A_159 : i32
      %swap3A_161 = arith.index_cast %add3A_160 : i32 to index
      %swap3A_162 = tpu.vector_load %arg7[%swap3A_161] {strides = array<i32>} : memref<16384xi32, #tpu.memory_space<vmem>>, vector<16xi32>,
      tpu.vector_store %arg7[%swap3A_161], %broadcast_in_dim3A_5 {strides = array<i32>} : memref<16384xi32, #tpu.memory_space<vmem>>, vector<16xi32>,
      %mul3A_163 = arith.constant 128 : i32
      %mul3A_164 = arith.muli %scan3A_126, %mul3A_163 : i32
      %add3A_165 = arith.constant 96 : i32
      %add3A_166 = arith.addi %mul3A_164, %add3A_165 : i32
      %swap3A_167 = arith.index_cast %add3A_166 : i32 to index
      %swap3A_168 = tpu.vector_load %arg7[%swap3A_167] {strides = array<i32>} : memref<16384xi32, #tpu.memory_space<vmem>>, vector<16xi32>,
      tpu.vector_store %arg7[%swap3A_167], %broadcast_in_dim3A_5 {strides = array<i32>} : memref<16384xi32, #tpu.memory_space<vmem>>, vector<16xi32>,
      %mul3A_169 = arith.constant 128 : i32
      %mul3A_170 = arith.muli %scan3A_126, %mul3A_169 : i32
      %add3A_171 = arith.constant 112 : i32
      %add3A_172 = arith.addi %mul3A_170, %add3A_171 : i32
      %swap3A_173 = arith.index_cast %add3A_172 : i32 to index
      %swap3A_174 = tpu.vector_load %arg7[%swap3A_173] {strides = array<i32>} : memref<16384xi32, #tpu.memory_space<vmem>>, vector<16xi32>,
      tpu.vector_store %arg7[%swap3A_173], %broadcast_in_dim3A_5 {strides = array<i32>} : memref<16384xi32, #tpu.memory_space<vmem>>, vector<16xi32>,
    }
    %scan3A_18 = arith.constant 128 : i32
    tpu.wait_dma2 semaphore(%arg14 : memref<!tpu.dma_semaphore, #tpu.memory_space<semaphore_mem>>) src(%arg2 : memref<8192xi32, #tpu.memory_space<hbm>>) dst(%arg4 : memref<8192xi32, #tpu.memory_space<vmem>>)
    %scan3A_19 = arith.constant 0 : i32
    %scan3A_20 = arith.constant 0 : i32
    %scan3A_21 = arith.constant 128 : i32
    %scan3A_22 = arith.addi %scan3A_20, %scan3A_21 : i32
    %scan3A_23 = arith.constant 1 : i32
    %scan3A_24 = scf.for %scan3A_126 = %scan3A_20 to %scan3A_22 step %scan3A_23 iter_args(%scan3A_127 = %scan3A_19) -> (i32)  : i32 {
      %mul3A_128 = arith.constant 2 : i32
      %mul3A_129 = arith.muli %mul3A_128, %scan3A_126 : i32
      %mul3A_130 = arith.constant 16 : i32
      %mul3A_131 = arith.muli %mul3A_129, %mul3A_130 : i32
      %jit3A_132 = arith.constant 8 : i32
      %div3A_133 = arith.divsi %mul3A_129, %jit3A_132 : i32
      %sign3A_134 = arith.constant 0 : i32
      %sign3A_135 = arith.cmpi sgt, %mul3A_129, %sign3A_134 : i32
      %sign3A_136 = arith.extui %sign3A_135 : i1 to i32
      %sign3A_137 = arith.constant 0 : i32
      %sign3A_138 = arith.cmpi slt, %mul3A_129, %sign3A_137 : i32
      %sign3A_139 = arith.extui %sign3A_138 : i1 to i32
      %sign3A_140 = arith.subi %sign3A_136, %sign3A_139 : i32
      %sign3A_141 = arith.constant 0 : i32
      %sign3A_142 = arith.cmpi sgt, %jit3A_132, %sign3A_141 : i32
      %sign3A_143 = arith.extui %sign3A_142 : i1 to i32
      %sign3A_144 = arith.constant 0 : i32
      %sign3A_145 = arith.cmpi slt, %jit3A_132, %sign3A_144 : i32
      %sign3A_146 = arith.extui %sign3A_145 : i1 to i32
      %sign3A_147 = arith.subi %sign3A_143, %sign3A_146 : i32
      %ne3A_148 = arith.cmpi ne, %sign3A_140, %sign3A_147 : i32
      %rem3A_149 = arith.remsi %mul3A_129, %jit3A_132 : i32
      %ne3A_150 = arith.constant 0 : i32
      %ne3A_151 = arith.cmpi ne, %rem3A_149, %ne3A_150 : i32
      %and3A_152 = arith.andi %ne3A_148, %ne3A_151 : i1
      %sub3A_153 = arith.constant 1 : i32
      %sub3A_154 = arith.subi %div3A_133, %sub3A_153 : i32
      %select_n3A_155 = arith.select %and3A_152, %sub3A_154, %div3A_133 : i32
      %mul3A_156 = arith.constant 128 : i32
      %mul3A_157 = arith.muli %select_n3A_155, %mul3A_156 : i32
      %add3A_158 = arith.addi %mul3A_131, %mul3A_157 : i32
      %get3A = arith.index_cast %add3A_158 : i32 to index
      %get3A_159 = tpu.vector_load %arg4[%get3A] {strides = array<i32>} : memref<8192xi32, #tpu.memory_space<vmem>>, vector<16xi32>,
      %add3A_160 = arith.constant 128 : i32
      %add3A_161 = arith.addi %add3A_158, %add3A_160 : i32
      %get3A_162 = arith.index_cast %add3A_161 : i32 to index
      %get3A_163 = tpu.vector_load %arg4[%get3A_162] {strides = array<i32>} : memref<8192xi32, #tpu.memory_space<vmem>>, vector<16xi32>,
      %mul3A_164 = arith.constant 64 : i32
      %mul3A_165 = vector.broadcast %mul3A_164 : i32 to vector<16xi32>
      %mul3A_166 = arith.muli %get3A_159, %mul3A_165 : vector<16xi32>
      %add3A_167 = arith.addi %mul3A_166, %get3A_163 : vector<16xi32>
      %ge3A = vector.broadcast %mul3A_2 : i32 to vector<16xi32>
      %ge3A_168 = arith.cmpi sge, %add3A_167, %ge3A : vector<16xi32>
      %add3A_169 = arith.constant 128 : i32
      %add3A_170 = arith.addi %mul3A_2, %add3A_169 : i32
      %lt3A = vector.broadcast %add3A_170 : i32 to vector<16xi32>
      %lt3A_171 = arith.cmpi slt, %add3A_167, %lt3A : vector<16xi32>
      %and3A_172 = arith.andi %ge3A_168, %lt3A_171 : vector<16xi1>
      %sub3A_173 = vector.broadcast %mul3A_2 : i32 to vector<16xi32>
      %sub3A_174 = arith.subi %add3A_167, %sub3A_173 : vector<16xi32>
      %mul3A_175 = arith.constant 4096 : i32
      %mul3A_176 = vector.broadcast %mul3A_175 : i32 to vector<16xi32>
      %mul3A_177 = arith.muli %sub3A_174, %mul3A_176 : vector<16xi32>
      %add3A_178 = arith.addi %mul3A_177, %iota3A : vector<16xi32>
      %mul3A_179 = arith.constant 16 : i32
      %mul3A_180 = arith.muli %mul3A_129, %mul3A_179 : i32
      %add3A_181 = vector.broadcast %mul3A_180 : i32 to vector<16xi32>
      %add3A_182 = arith.addi %add3A_178, %add3A_181 : vector<16xi32>
      %swap3A_183 = arith.index_cast %scan3A_127 : i32 to index
      %swap3A_184 = tpu.vector_load %arg5[%swap3A_183] masked %and3A_172 {strides = array<i32>} : memref<4112xi32, #tpu.memory_space<vmem>>, vector<16xi32>, vector<16xi1>
      tpu.vector_store %arg5[%swap3A_183], %add3A_182 masked %and3A_172 {strides = array<i32>} : memref<4112xi32, #tpu.memory_space<vmem>>, vector<16xi32>, vector<16xi1>
      %all_reduce_population_count3A = tpu.all_reduce %and3A_172 {dim = 0 : i64, kind = #tpu.reduction_kind<sum>} : vector<16xi1> -> vector<16xi32>
      %slice3A = vector.extract_strided_slice %all_reduce_population_count3A {offsets = [0], sizes = [1], strides = [1]} : vector<16xi32> to vector<1xi32>
      %squeeze3A = vector.extract %slice3A[0] : i32 from vector<1xi32>
      %add3A_185 = arith.addi %scan3A_127, %squeeze3A : i32
      %mul3A_186 = arith.constant 2 : i32
      %mul3A_187 = arith.muli %mul3A_186, %scan3A_126 : i32
      %add3A_188 = arith.constant 1 : i32
      %add3A_189 = arith.addi %mul3A_187, %add3A_188 : i32
      %mul3A_190 = arith.constant 16 : i32
      %mul3A_191 = arith.muli %add3A_189, %mul3A_190 : i32
      %jit3A_192 = arith.constant 8 : i32
      %div3A_193 = arith.divsi %add3A_189, %jit3A_192 : i32
      %sign3A_194 = arith.constant 0 : i32
      %sign3A_195 = arith.cmpi sgt, %add3A_189, %sign3A_194 : i32
      %sign3A_196 = arith.extui %sign3A_195 : i1 to i32
      %sign3A_197 = arith.constant 0 : i32
      %sign3A_198 = arith.cmpi slt, %add3A_189, %sign3A_197 : i32
      %sign3A_199 = arith.extui %sign3A_198 : i1 to i32
      %sign3A_200 = arith.subi %sign3A_196, %sign3A_199 : i32
      %sign3A_201 = arith.constant 0 : i32
      %sign3A_202 = arith.cmpi sgt, %jit3A_192, %sign3A_201 : i32
      %sign3A_203 = arith.extui %sign3A_202 : i1 to i32
      %sign3A_204 = arith.constant 0 : i32
      %sign3A_205 = arith.cmpi slt, %jit3A_192, %sign3A_204 : i32
      %sign3A_206 = arith.extui %sign3A_205 : i1 to i32
      %sign3A_207 = arith.subi %sign3A_203, %sign3A_206 : i32
      %ne3A_208 = arith.cmpi ne, %sign3A_200, %sign3A_207 : i32
      %rem3A_209 = arith.remsi %add3A_189, %jit3A_192 : i32
      %ne3A_210 = arith.constant 0 : i32
      %ne3A_211 = arith.cmpi ne, %rem3A_209, %ne3A_210 : i32
      %and3A_212 = arith.andi %ne3A_208, %ne3A_211 : i1
      %sub3A_213 = arith.constant 1 : i32
      %sub3A_214 = arith.subi %div3A_193, %sub3A_213 : i32
      %select_n3A_215 = arith.select %and3A_212, %sub3A_214, %div3A_193 : i32
      %mul3A_216 = arith.constant 128 : i32
      %mul3A_217 = arith.muli %select_n3A_215, %mul3A_216 : i32
      %add3A_218 = arith.addi %mul3A_191, %mul3A_217 : i32
      %get3A_219 = arith.index_cast %add3A_218 : i32 to index
      %get3A_220 = tpu.vector_load %arg4[%get3A_219] {strides = array<i32>} : memref<8192xi32, #tpu.memory_space<vmem>>, vector<16xi32>,
      %add3A_221 = arith.constant 128 : i32
      %add3A_222 = arith.addi %add3A_218, %add3A_221 : i32
      %get3A_223 = arith.index_cast %add3A_222 : i32 to index
      %get3A_224 = tpu.vector_load %arg4[%get3A_223] {strides = array<i32>} : memref<8192xi32, #tpu.memory_space<vmem>>, vector<16xi32>,
      %mul3A_225 = arith.constant 64 : i32
      %mul3A_226 = vector.broadcast %mul3A_225 : i32 to vector<16xi32>
      %mul3A_227 = arith.muli %get3A_220, %mul3A_226 : vector<16xi32>
      %add3A_228 = arith.addi %mul3A_227, %get3A_224 : vector<16xi32>
      %ge3A_229 = vector.broadcast %mul3A_2 : i32 to vector<16xi32>
      %ge3A_230 = arith.cmpi sge, %add3A_228, %ge3A_229 : vector<16xi32>
      %add3A_231 = arith.constant 128 : i32
      %add3A_232 = arith.addi %mul3A_2, %add3A_231 : i32
      %lt3A_233 = vector.broadcast %add3A_232 : i32 to vector<16xi32>
      %lt3A_234 = arith.cmpi slt, %add3A_228, %lt3A_233 : vector<16xi32>
      %and3A_235 = arith.andi %ge3A_230, %lt3A_234 : vector<16xi1>
      %sub3A_236 = vector.broadcast %mul3A_2 : i32 to vector<16xi32>
      %sub3A_237 = arith.subi %add3A_228, %sub3A_236 : vector<16xi32>
      %mul3A_238 = arith.constant 4096 : i32
      %mul3A_239 = vector.broadcast %mul3A_238 : i32 to vector<16xi32>
      %mul3A_240 = arith.muli %sub3A_237, %mul3A_239 : vector<16xi32>
      %add3A_241 = arith.addi %mul3A_240, %iota3A : vector<16xi32>
      %mul3A_242 = arith.constant 16 : i32
      %mul3A_243 = arith.muli %add3A_189, %mul3A_242 : i32
      %add3A_244 = vector.broadcast %mul3A_243 : i32 to vector<16xi32>
      %add3A_245 = arith.addi %add3A_241, %add3A_244 : vector<16xi32>
      %swap3A_246 = arith.index_cast %add3A_185 : i32 to index
      %swap3A_247 = tpu.vector_load %arg5[%swap3A_246] masked %and3A_235 {strides = array<i32>} : memref<4112xi32, #tpu.memory_space<vmem>>, vector<16xi32>, vector<16xi1>
      tpu.vector_store %arg5[%swap3A_246], %add3A_245 masked %and3A_235 {strides = array<i32>} : memref<4112xi32, #tpu.memory_space<vmem>>, vector<16xi32>, vector<16xi1>
      %all_reduce_population_count3A_248 = tpu.all_reduce %and3A_235 {dim = 0 : i64, kind = #tpu.reduction_kind<sum>} : vector<16xi1> -> vector<16xi32>
      %slice3A_249 = vector.extract_strided_slice %all_reduce_population_count3A_248 {offsets = [0], sizes = [1], strides = [1]} : vector<16xi32> to vector<1xi32>
      %squeeze3A_250 = vector.extract %slice3A_249[0] : i32 from vector<1xi32>
      %add3A_251 = arith.addi %add3A_185, %squeeze3A_250 : i32
      scf.yield %add3A_251 : i32
    }
    %scan3A_25 = arith.constant 128 : i32
    %broadcast_in_dim3A_26 = arith.constant -1 : i32
    %broadcast_in_dim3A_27 = vector.broadcast %broadcast_in_dim3A_26 : i32 to vector<16xi32>
    %swap3A = arith.index_cast %scan3A_24 : i32 to index
    %swap3A_28 = tpu.vector_load %arg5[%swap3A] {strides = array<i32>} : memref<4112xi32, #tpu.memory_space<vmem>>, vector<16xi32>,
    tpu.vector_store %arg5[%swap3A], %broadcast_in_dim3A_27 {strides = array<i32>} : memref<4112xi32, #tpu.memory_space<vmem>>, vector<16xi32>,
    %add3A_29 = arith.constant 15 : i32
    %add3A_30 = arith.addi %scan3A_24, %add3A_29 : i32
    %jit3A = arith.constant 16 : i32
    %div3A = arith.divsi %add3A_30, %jit3A : i32
    %sign3A = arith.constant 0 : i32
    %sign3A_31 = arith.cmpi sgt, %add3A_30, %sign3A : i32
    %sign3A_32 = arith.extui %sign3A_31 : i1 to i32
    %sign3A_33 = arith.constant 0 : i32
    %sign3A_34 = arith.cmpi slt, %add3A_30, %sign3A_33 : i32
    %sign3A_35 = arith.extui %sign3A_34 : i1 to i32
    %sign3A_36 = arith.subi %sign3A_32, %sign3A_35 : i32
    %sign3A_37 = arith.constant 0 : i32
    %sign3A_38 = arith.cmpi sgt, %jit3A, %sign3A_37 : i32
    %sign3A_39 = arith.extui %sign3A_38 : i1 to i32
    %sign3A_40 = arith.constant 0 : i32
    %sign3A_41 = arith.cmpi slt, %jit3A, %sign3A_40 : i32
    %sign3A_42 = arith.extui %sign3A_41 : i1 to i32
    %sign3A_43 = arith.subi %sign3A_39, %sign3A_42 : i32
    %ne3A = arith.cmpi ne, %sign3A_36, %sign3A_43 : i32
    %rem3A = arith.remsi %add3A_30, %jit3A : i32
    %ne3A_44 = arith.constant 0 : i32
    %ne3A_45 = arith.cmpi ne, %rem3A, %ne3A_44 : i32
    %and3A = arith.andi %ne3A, %ne3A_45 : i1
    %sub3A = arith.constant 1 : i32
    %sub3A_46 = arith.subi %div3A, %sub3A : i32
    %select_n3A = arith.select %and3A, %sub3A_46, %div3A : i32
    %while3A = arith.constant 0 : i32
    %while3A_47 = arith.constant 0 : i32
    %while3A_48 = arith.subi %select_n3A, %while3A_47 : i32
    %while3A_49 = arith.addi %while3A_47, %while3A_48 : i32
    %while3A_50 = arith.constant 1 : i32
    %while3A_51 = arith.divsi %while3A_48, %while3A_50 : i32
    %while3A_52 = arith.muli %while3A_51, %while3A_50 : i32
    %while3A_53 = arith.addi %while3A_47, %while3A_52 : i32
    %while3A_54 = arith.constant 1 : i32
    scf.for %while3A_126 = %while3A_47 to %while3A_53 step %while3A_54  : i32 {
      %mul3A_127 = arith.constant 16 : i32
      %mul3A_128 = arith.muli %while3A_126, %mul3A_127 : i32
      %get3A = arith.index_cast %mul3A_128 : i32 to index
      %get3A_129 = tpu.vector_load %arg5[%get3A] {strides = array<i32>} : memref<4112xi32, #tpu.memory_space<vmem>>, vector<16xi32>,
      %ge3A = arith.constant -65536 : i32
      %ge3A_130 = vector.broadcast %ge3A : i32 to vector<16xi32>
      %ge3A_131 = arith.cmpi sge, %get3A_129, %ge3A_130 : vector<16xi32>
      %lt3A = arith.constant -49152 : i32
      %lt3A_132 = vector.broadcast %lt3A : i32 to vector<16xi32>
      %lt3A_133 = arith.cmpi slt, %get3A_129, %lt3A_132 : vector<16xi32>
      %and3A_134 = arith.andi %ge3A_131, %lt3A_133 : vector<16xi1>
      %sub3A_135 = arith.constant -65536 : i32
      %sub3A_136 = vector.broadcast %sub3A_135 : i32 to vector<16xi32>
      %sub3A_137 = arith.subi %get3A_129, %sub3A_136 : vector<16xi32>
      %select_n3A_138 = arith.select %and3A_134, %sub3A_137, %broadcast_in_dim3A_5 : vector<16xi1>, vector<16xi32>
      tpu.vector_store_idx %arg6[%select_n3A_138], %broadcast_in_dim3A_5 masked %and3A_134 : memref<16384xi32, #tpu.memory_space<vmem>>[vector<16xi32>], vector<16xi32>, vector<16xi1>
      %ge3A_139 = arith.constant 0 : i32
      %ge3A_140 = vector.broadcast %ge3A_139 : i32 to vector<16xi32>
      %ge3A_141 = arith.cmpi sge, %get3A_129, %ge3A_140 : vector<16xi32>
      %lt3A_142 = arith.constant 16384 : i32
      %lt3A_143 = vector.broadcast %lt3A_142 : i32 to vector<16xi32>
      %lt3A_144 = arith.cmpi slt, %get3A_129, %lt3A_143 : vector<16xi32>
      %and3A_145 = arith.andi %ge3A_141, %lt3A_144 : vector<16xi1>
      %sub3A_146 = arith.constant 0 : i32
      %sub3A_147 = vector.broadcast %sub3A_146 : i32 to vector<16xi32>
      %sub3A_148 = arith.subi %get3A_129, %sub3A_147 : vector<16xi32>
      %select_n3A_149 = arith.select %and3A_145, %sub3A_148, %broadcast_in_dim3A_5 : vector<16xi1>, vector<16xi32>
      tpu.vector_store_idx %arg6[%select_n3A_149], %broadcast_in_dim3A_7 masked %and3A_145 : memref<16384xi32, #tpu.memory_space<vmem>>[vector<16xi32>], vector<16xi32>, vector<16xi1>
    }
    %while3A_55 = arith.constant 1 : i32
    scf.for %while3A_126 = %while3A_53 to %while3A_49 step %while3A_55  : i32 {
      %mul3A_127 = arith.constant 16 : i32
      %mul3A_128 = arith.muli %while3A_126, %mul3A_127 : i32
      %get3A = arith.index_cast %mul3A_128 : i32 to index
      %get3A_129 = tpu.vector_load %arg5[%get3A] {strides = array<i32>} : memref<4112xi32, #tpu.memory_space<vmem>>, vector<16xi32>,
      %ge3A = arith.constant -65536 : i32
      %ge3A_130 = vector.broadcast %ge3A : i32 to vector<16xi32>
      %ge3A_131 = arith.cmpi sge, %get3A_129, %ge3A_130 : vector<16xi32>
      %lt3A = arith.constant -49152 : i32
      %lt3A_132 = vector.broadcast %lt3A : i32 to vector<16xi32>
      %lt3A_133 = arith.cmpi slt, %get3A_129, %lt3A_132 : vector<16xi32>
      %and3A_134 = arith.andi %ge3A_131, %lt3A_133 : vector<16xi1>
      %sub3A_135 = arith.constant -65536 : i32
      %sub3A_136 = vector.broadcast %sub3A_135 : i32 to vector<16xi32>
      %sub3A_137 = arith.subi %get3A_129, %sub3A_136 : vector<16xi32>
      %select_n3A_138 = arith.select %and3A_134, %sub3A_137, %broadcast_in_dim3A_5 : vector<16xi1>, vector<16xi32>
      tpu.vector_store_idx %arg6[%select_n3A_138], %broadcast_in_dim3A_5 masked %and3A_134 : memref<16384xi32, #tpu.memory_space<vmem>>[vector<16xi32>], vector<16xi32>, vector<16xi1>
      %ge3A_139 = arith.constant 0 : i32
      %ge3A_140 = vector.broadcast %ge3A_139 : i32 to vector<16xi32>
      %ge3A_141 = arith.cmpi sge, %get3A_129, %ge3A_140 : vector<16xi32>
      %lt3A_142 = arith.constant 16384 : i32
      %lt3A_143 = vector.broadcast %lt3A_142 : i32 to vector<16xi32>
      %lt3A_144 = arith.cmpi slt, %get3A_129, %lt3A_143 : vector<16xi32>
      %and3A_145 = arith.andi %ge3A_141, %lt3A_144 : vector<16xi1>
      %sub3A_146 = arith.constant 0 : i32
      %sub3A_147 = vector.broadcast %sub3A_146 : i32 to vector<16xi32>
      %sub3A_148 = arith.subi %get3A_129, %sub3A_147 : vector<16xi32>
      %select_n3A_149 = arith.select %and3A_145, %sub3A_148, %broadcast_in_dim3A_5 : vector<16xi1>, vector<16xi32>
      tpu.vector_store_idx %arg6[%select_n3A_149], %broadcast_in_dim3A_7 masked %and3A_145 : memref<16384xi32, #tpu.memory_space<vmem>>[vector<16xi32>], vector<16xi32>, vector<16xi1>
    }
    %add3A_56 = arith.constant 0 : i32
    %add3A_57 = arith.addi %mul3A_4, %add3A_56 : i32
    %dma_start3A = tpu.memref_slice %arg3[%add3A_57] : memref<16777216xi32, #tpu.memory_space<hbm>> -> memref<16384xi32, #tpu.memory_space<hbm>>
    %dma_start3A_58 = tpu.memref_slice %arg3[%add3A_57] : memref<16777216xi32, #tpu.memory_space<hbm>> -> memref<16384xi32, #tpu.memory_space<hbm>>
    tpu.enqueue_dma source(%arg6 : memref<16384xi32, #tpu.memory_space<vmem>>) target(%dma_start3A_58 : memref<16384xi32, #tpu.memory_space<hbm>>) target_semaphore(%arg10 : memref<!tpu.dma_semaphore, #tpu.memory_space<semaphore_mem>>)
    %while3A_59 = arith.constant 0 : i32
    %while3A_60 = arith.constant 0 : i32
    %while3A_61 = arith.subi %select_n3A, %while3A_60 : i32
    %while3A_62 = arith.addi %while3A_60, %while3A_61 : i32
    %while3A_63 = arith.constant 1 : i32
    %while3A_64 = arith.divsi %while3A_61, %while3A_63 : i32
    %while3A_65 = arith.muli %while3A_64, %while3A_63 : i32
    %while3A_66 = arith.addi %while3A_60, %while3A_65 : i32
    %while3A_67 = arith.constant 1 : i32
    scf.for %while3A_126 = %while3A_60 to %while3A_66 step %while3A_67  : i32 {
      %mul3A_127 = arith.constant 16 : i32
      %mul3A_128 = arith.muli %while3A_126, %mul3A_127 : i32
      %get3A = arith.index_cast %mul3A_128 : i32 to index
      %get3A_129 = tpu.vector_load %arg5[%get3A] {strides = array<i32>} : memref<4112xi32, #tpu.memory_space<vmem>>, vector<16xi32>,
      %ge3A = arith.constant -49152 : i32
      %ge3A_130 = vector.broadcast %ge3A : i32 to vector<16xi32>
      %ge3A_131 = arith.cmpi sge, %get3A_129, %ge3A_130 : vector<16xi32>
      %lt3A = arith.constant -32768 : i32
      %lt3A_132 = vector.broadcast %lt3A : i32 to vector<16xi32>
      %lt3A_133 = arith.cmpi slt, %get3A_129, %lt3A_132 : vector<16xi32>
      %and3A_134 = arith.andi %ge3A_131, %lt3A_133 : vector<16xi1>
      %sub3A_135 = arith.constant -49152 : i32
      %sub3A_136 = vector.broadcast %sub3A_135 : i32 to vector<16xi32>
      %sub3A_137 = arith.subi %get3A_129, %sub3A_136 : vector<16xi32>
      %select_n3A_138 = arith.select %and3A_134, %sub3A_137, %broadcast_in_dim3A_5 : vector<16xi1>, vector<16xi32>
      tpu.vector_store_idx %arg7[%select_n3A_138], %broadcast_in_dim3A_5 masked %and3A_134 : memref<16384xi32, #tpu.memory_space<vmem>>[vector<16xi32>], vector<16xi32>, vector<16xi1>
      %ge3A_139 = arith.constant 16384 : i32
      %ge3A_140 = vector.broadcast %ge3A_139 : i32 to vector<16xi32>
      %ge3A_141 = arith.cmpi sge, %get3A_129, %ge3A_140 : vector<16xi32>
      %lt3A_142 = arith.constant 32768 : i32
      %lt3A_143 = vector.broadcast %lt3A_142 : i32 to vector<16xi32>
      %lt3A_144 = arith.cmpi slt, %get3A_129, %lt3A_143 : vector<16xi32>
      %and3A_145 = arith.andi %ge3A_141, %lt3A_144 : vector<16xi1>
      %sub3A_146 = arith.constant 16384 : i32
      %sub3A_147 = vector.broadcast %sub3A_146 : i32 to vector<16xi32>
      %sub3A_148 = arith.subi %get3A_129, %sub3A_147 : vector<16xi32>
      %select_n3A_149 = arith.select %and3A_145, %sub3A_148, %broadcast_in_dim3A_5 : vector<16xi1>, vector<16xi32>
      tpu.vector_store_idx %arg7[%select_n3A_149], %broadcast_in_dim3A_7 masked %and3A_145 : memref<16384xi32, #tpu.memory_space<vmem>>[vector<16xi32>], vector<16xi32>, vector<16xi1>
    }
    %while3A_68 = arith.constant 1 : i32
    scf.for %while3A_126 = %while3A_66 to %while3A_62 step %while3A_68  : i32 {
      %mul3A_127 = arith.constant 16 : i32
      %mul3A_128 = arith.muli %while3A_126, %mul3A_127 : i32
      %get3A = arith.index_cast %mul3A_128 : i32 to index
      %get3A_129 = tpu.vector_load %arg5[%get3A] {strides = array<i32>} : memref<4112xi32, #tpu.memory_space<vmem>>, vector<16xi32>,
      %ge3A = arith.constant -49152 : i32
      %ge3A_130 = vector.broadcast %ge3A : i32 to vector<16xi32>
      %ge3A_131 = arith.cmpi sge, %get3A_129, %ge3A_130 : vector<16xi32>
      %lt3A = arith.constant -32768 : i32
      %lt3A_132 = vector.broadcast %lt3A : i32 to vector<16xi32>
      %lt3A_133 = arith.cmpi slt, %get3A_129, %lt3A_132 : vector<16xi32>
      %and3A_134 = arith.andi %ge3A_131, %lt3A_133 : vector<16xi1>
      %sub3A_135 = arith.constant -49152 : i32
      %sub3A_136 = vector.broadcast %sub3A_135 : i32 to vector<16xi32>
      %sub3A_137 = arith.subi %get3A_129, %sub3A_136 : vector<16xi32>
      %select_n3A_138 = arith.select %and3A_134, %sub3A_137, %broadcast_in_dim3A_5 : vector<16xi1>, vector<16xi32>
      tpu.vector_store_idx %arg7[%select_n3A_138], %broadcast_in_dim3A_5 masked %and3A_134 : memref<16384xi32, #tpu.memory_space<vmem>>[vector<16xi32>], vector<16xi32>, vector<16xi1>
      %ge3A_139 = arith.constant 16384 : i32
      %ge3A_140 = vector.broadcast %ge3A_139 : i32 to vector<16xi32>
      %ge3A_141 = arith.cmpi sge, %get3A_129, %ge3A_140 : vector<16xi32>
      %lt3A_142 = arith.constant 32768 : i32
      %lt3A_143 = vector.broadcast %lt3A_142 : i32 to vector<16xi32>
      %lt3A_144 = arith.cmpi slt, %get3A_129, %lt3A_143 : vector<16xi32>
      %and3A_145 = arith.andi %ge3A_141, %lt3A_144 : vector<16xi1>
      %sub3A_146 = arith.constant 16384 : i32
      %sub3A_147 = vector.broadcast %sub3A_146 : i32 to vector<16xi32>
      %sub3A_148 = arith.subi %get3A_129, %sub3A_147 : vector<16xi32>
      %select_n3A_149 = arith.select %and3A_145, %sub3A_148, %broadcast_in_dim3A_5 : vector<16xi1>, vector<16xi32>
      tpu.vector_store_idx %arg7[%select_n3A_149], %broadcast_in_dim3A_7 masked %and3A_145 : memref<16384xi32, #tpu.memory_space<vmem>>[vector<16xi32>], vector<16xi32>, vector<16xi1>
    }
    %add3A_69 = arith.constant 16384 : i32
    %add3A_70 = arith.addi %mul3A_4, %add3A_69 : i32
    %dma_start3A_71 = tpu.memref_slice %arg3[%add3A_70] : memref<16777216xi32, #tpu.memory_space<hbm>> -> memref<16384xi32, #tpu.memory_space<hbm>>
    %dma_start3A_72 = tpu.memref_slice %arg3[%add3A_70] : memref<16777216xi32, #tpu.memory_space<hbm>> -> memref<16384xi32, #tpu.memory_space<hbm>>
    tpu.enqueue_dma source(%arg7 : memref<16384xi32, #tpu.memory_space<vmem>>) target(%dma_start3A_72 : memref<16384xi32, #tpu.memory_space<hbm>>) target_semaphore(%arg11 : memref<!tpu.dma_semaphore, #tpu.memory_space<semaphore_mem>>)
    %scan3A_73 = arith.constant 0 : i32
    %scan3A_74 = arith.constant 0 : i32
    %scan3A_75 = arith.constant 128 : i32
    %scan3A_76 = arith.addi %scan3A_74, %scan3A_75 : i32
    %scan3A_77 = arith.constant 1 : i32
    scf.for %scan3A_126 = %scan3A_74 to %scan3A_76 step %scan3A_77  : i32 {
      %mul3A_127 = arith.constant 128 : i32
      %mul3A_128 = arith.muli %scan3A_126, %mul3A_127 : i32
      %add3A_129 = arith.constant 0 : i32
      %add3A_130 = arith.addi %mul3A_128, %add3A_129 : i32
      %swap3A_131 = arith.index_cast %add3A_130 : i32 to index
      %swap3A_132 = tpu.vector_load %arg8[%swap3A_131] {strides = array<i32>} : memref<16384xi32, #tpu.memory_space<vmem>>, vector<16xi32>,
      tpu.vector_store %arg8[%swap3A_131], %broadcast_in_dim3A_5 {strides = array<i32>} : memref<16384xi32, #tpu.memory_space<vmem>>, vector<16xi32>,
      %mul3A_133 = arith.constant 128 : i32
      %mul3A_134 = arith.muli %scan3A_126, %mul3A_133 : i32
      %add3A_135 = arith.constant 16 : i32
      %add3A_136 = arith.addi %mul3A_134, %add3A_135 : i32
      %swap3A_137 = arith.index_cast %add3A_136 : i32 to index
      %swap3A_138 = tpu.vector_load %arg8[%swap3A_137] {strides = array<i32>} : memref<16384xi32, #tpu.memory_space<vmem>>, vector<16xi32>,
      tpu.vector_store %arg8[%swap3A_137], %broadcast_in_dim3A_5 {strides = array<i32>} : memref<16384xi32, #tpu.memory_space<vmem>>, vector<16xi32>,
      %mul3A_139 = arith.constant 128 : i32
      %mul3A_140 = arith.muli %scan3A_126, %mul3A_139 : i32
      %add3A_141 = arith.constant 32 : i32
      %add3A_142 = arith.addi %mul3A_140, %add3A_141 : i32
      %swap3A_143 = arith.index_cast %add3A_142 : i32 to index
      %swap3A_144 = tpu.vector_load %arg8[%swap3A_143] {strides = array<i32>} : memref<16384xi32, #tpu.memory_space<vmem>>, vector<16xi32>,
      tpu.vector_store %arg8[%swap3A_143], %broadcast_in_dim3A_5 {strides = array<i32>} : memref<16384xi32, #tpu.memory_space<vmem>>, vector<16xi32>,
      %mul3A_145 = arith.constant 128 : i32
      %mul3A_146 = arith.muli %scan3A_126, %mul3A_145 : i32
      %add3A_147 = arith.constant 48 : i32
      %add3A_148 = arith.addi %mul3A_146, %add3A_147 : i32
      %swap3A_149 = arith.index_cast %add3A_148 : i32 to index
      %swap3A_150 = tpu.vector_load %arg8[%swap3A_149] {strides = array<i32>} : memref<16384xi32, #tpu.memory_space<vmem>>, vector<16xi32>,
      tpu.vector_store %arg8[%swap3A_149], %broadcast_in_dim3A_5 {strides = array<i32>} : memref<16384xi32, #tpu.memory_space<vmem>>, vector<16xi32>,
      %mul3A_151 = arith.constant 128 : i32
      %mul3A_152 = arith.muli %scan3A_126, %mul3A_151 : i32
      %add3A_153 = arith.constant 64 : i32
      %add3A_154 = arith.addi %mul3A_152, %add3A_153 : i32
      %swap3A_155 = arith.index_cast %add3A_154 : i32 to index
      %swap3A_156 = tpu.vector_load %arg8[%swap3A_155] {strides = array<i32>} : memref<16384xi32, #tpu.memory_space<vmem>>, vector<16xi32>,
      tpu.vector_store %arg8[%swap3A_155], %broadcast_in_dim3A_5 {strides = array<i32>} : memref<16384xi32, #tpu.memory_space<vmem>>, vector<16xi32>,
      %mul3A_157 = arith.constant 128 : i32
      %mul3A_158 = arith.muli %scan3A_126, %mul3A_157 : i32
      %add3A_159 = arith.constant 80 : i32
      %add3A_160 = arith.addi %mul3A_158, %add3A_159 : i32
      %swap3A_161 = arith.index_cast %add3A_160 : i32 to index
      %swap3A_162 = tpu.vector_load %arg8[%swap3A_161] {strides = array<i32>} : memref<16384xi32, #tpu.memory_space<vmem>>, vector<16xi32>,
      tpu.vector_store %arg8[%swap3A_161], %broadcast_in_dim3A_5 {strides = array<i32>} : memref<16384xi32, #tpu.memory_space<vmem>>, vector<16xi32>,
      %mul3A_163 = arith.constant 128 : i32
      %mul3A_164 = arith.muli %scan3A_126, %mul3A_163 : i32
      %add3A_165 = arith.constant 96 : i32
      %add3A_166 = arith.addi %mul3A_164, %add3A_165 : i32
      %swap3A_167 = arith.index_cast %add3A_166 : i32 to index
      %swap3A_168 = tpu.vector_load %arg8[%swap3A_167] {strides = array<i32>} : memref<16384xi32, #tpu.memory_space<vmem>>, vector<16xi32>,
      tpu.vector_store %arg8[%swap3A_167], %broadcast_in_dim3A_5 {strides = array<i32>} : memref<16384xi32, #tpu.memory_space<vmem>>, vector<16xi32>,
      %mul3A_169 = arith.constant 128 : i32
      %mul3A_170 = arith.muli %scan3A_126, %mul3A_169 : i32
      %add3A_171 = arith.constant 112 : i32
      %add3A_172 = arith.addi %mul3A_170, %add3A_171 : i32
      %swap3A_173 = arith.index_cast %add3A_172 : i32 to index
      %swap3A_174 = tpu.vector_load %arg8[%swap3A_173] {strides = array<i32>} : memref<16384xi32, #tpu.memory_space<vmem>>, vector<16xi32>,
      tpu.vector_store %arg8[%swap3A_173], %broadcast_in_dim3A_5 {strides = array<i32>} : memref<16384xi32, #tpu.memory_space<vmem>>, vector<16xi32>,
    }
    %scan3A_78 = arith.constant 128 : i32
    %while3A_79 = arith.constant 0 : i32
    %while3A_80 = arith.constant 0 : i32
    %while3A_81 = arith.subi %select_n3A, %while3A_80 : i32
    %while3A_82 = arith.addi %while3A_80, %while3A_81 : i32
    %while3A_83 = arith.constant 1 : i32
    %while3A_84 = arith.divsi %while3A_81, %while3A_83 : i32
    %while3A_85 = arith.muli %while3A_84, %while3A_83 : i32
    %while3A_86 = arith.addi %while3A_80, %while3A_85 : i32
    %while3A_87 = arith.constant 1 : i32
    scf.for %while3A_126 = %while3A_80 to %while3A_86 step %while3A_87  : i32 {
      %mul3A_127 = arith.constant 16 : i32
      %mul3A_128 = arith.muli %while3A_126, %mul3A_127 : i32
      %get3A = arith.index_cast %mul3A_128 : i32 to index
      %get3A_129 = tpu.vector_load %arg5[%get3A] {strides = array<i32>} : memref<4112xi32, #tpu.memory_space<vmem>>, vector<16xi32>,
      %ge3A = arith.constant -32768 : i32
      %ge3A_130 = vector.broadcast %ge3A : i32 to vector<16xi32>
      %ge3A_131 = arith.cmpi sge, %get3A_129, %ge3A_130 : vector<16xi32>
      %lt3A = arith.constant -16384 : i32
      %lt3A_132 = vector.broadcast %lt3A : i32 to vector<16xi32>
      %lt3A_133 = arith.cmpi slt, %get3A_129, %lt3A_132 : vector<16xi32>
      %and3A_134 = arith.andi %ge3A_131, %lt3A_133 : vector<16xi1>
      %sub3A_135 = arith.constant -32768 : i32
      %sub3A_136 = vector.broadcast %sub3A_135 : i32 to vector<16xi32>
      %sub3A_137 = arith.subi %get3A_129, %sub3A_136 : vector<16xi32>
      %select_n3A_138 = arith.select %and3A_134, %sub3A_137, %broadcast_in_dim3A_5 : vector<16xi1>, vector<16xi32>
      tpu.vector_store_idx %arg8[%select_n3A_138], %broadcast_in_dim3A_5 masked %and3A_134 : memref<16384xi32, #tpu.memory_space<vmem>>[vector<16xi32>], vector<16xi32>, vector<16xi1>
      %ge3A_139 = arith.constant 32768 : i32
      %ge3A_140 = vector.broadcast %ge3A_139 : i32 to vector<16xi32>
      %ge3A_141 = arith.cmpi sge, %get3A_129, %ge3A_140 : vector<16xi32>
      %lt3A_142 = arith.constant 49152 : i32
      %lt3A_143 = vector.broadcast %lt3A_142 : i32 to vector<16xi32>
      %lt3A_144 = arith.cmpi slt, %get3A_129, %lt3A_143 : vector<16xi32>
      %and3A_145 = arith.andi %ge3A_141, %lt3A_144 : vector<16xi1>
      %sub3A_146 = arith.constant 32768 : i32
      %sub3A_147 = vector.broadcast %sub3A_146 : i32 to vector<16xi32>
      %sub3A_148 = arith.subi %get3A_129, %sub3A_147 : vector<16xi32>
      %select_n3A_149 = arith.select %and3A_145, %sub3A_148, %broadcast_in_dim3A_5 : vector<16xi1>, vector<16xi32>
      tpu.vector_store_idx %arg8[%select_n3A_149], %broadcast_in_dim3A_7 masked %and3A_145 : memref<16384xi32, #tpu.memory_space<vmem>>[vector<16xi32>], vector<16xi32>, vector<16xi1>
    }
    %while3A_88 = arith.constant 1 : i32
    scf.for %while3A_126 = %while3A_86 to %while3A_82 step %while3A_88  : i32 {
      %mul3A_127 = arith.constant 16 : i32
      %mul3A_128 = arith.muli %while3A_126, %mul3A_127 : i32
      %get3A = arith.index_cast %mul3A_128 : i32 to index
      %get3A_129 = tpu.vector_load %arg5[%get3A] {strides = array<i32>} : memref<4112xi32, #tpu.memory_space<vmem>>, vector<16xi32>,
      %ge3A = arith.constant -32768 : i32
      %ge3A_130 = vector.broadcast %ge3A : i32 to vector<16xi32>
      %ge3A_131 = arith.cmpi sge, %get3A_129, %ge3A_130 : vector<16xi32>
      %lt3A = arith.constant -16384 : i32
      %lt3A_132 = vector.broadcast %lt3A : i32 to vector<16xi32>
      %lt3A_133 = arith.cmpi slt, %get3A_129, %lt3A_132 : vector<16xi32>
      %and3A_134 = arith.andi %ge3A_131, %lt3A_133 : vector<16xi1>
      %sub3A_135 = arith.constant -32768 : i32
      %sub3A_136 = vector.broadcast %sub3A_135 : i32 to vector<16xi32>
      %sub3A_137 = arith.subi %get3A_129, %sub3A_136 : vector<16xi32>
      %select_n3A_138 = arith.select %and3A_134, %sub3A_137, %broadcast_in_dim3A_5 : vector<16xi1>, vector<16xi32>
      tpu.vector_store_idx %arg8[%select_n3A_138], %broadcast_in_dim3A_5 masked %and3A_134 : memref<16384xi32, #tpu.memory_space<vmem>>[vector<16xi32>], vector<16xi32>, vector<16xi1>
      %ge3A_139 = arith.constant 32768 : i32
      %ge3A_140 = vector.broadcast %ge3A_139 : i32 to vector<16xi32>
      %ge3A_141 = arith.cmpi sge, %get3A_129, %ge3A_140 : vector<16xi32>
      %lt3A_142 = arith.constant 49152 : i32
      %lt3A_143 = vector.broadcast %lt3A_142 : i32 to vector<16xi32>
      %lt3A_144 = arith.cmpi slt, %get3A_129, %lt3A_143 : vector<16xi32>
      %and3A_145 = arith.andi %ge3A_141, %lt3A_144 : vector<16xi1>
      %sub3A_146 = arith.constant 32768 : i32
      %sub3A_147 = vector.broadcast %sub3A_146 : i32 to vector<16xi32>
      %sub3A_148 = arith.subi %get3A_129, %sub3A_147 : vector<16xi32>
      %select_n3A_149 = arith.select %and3A_145, %sub3A_148, %broadcast_in_dim3A_5 : vector<16xi1>, vector<16xi32>
      tpu.vector_store_idx %arg8[%select_n3A_149], %broadcast_in_dim3A_7 masked %and3A_145 : memref<16384xi32, #tpu.memory_space<vmem>>[vector<16xi32>], vector<16xi32>, vector<16xi1>
    }
    %add3A_89 = arith.constant 32768 : i32
    %add3A_90 = arith.addi %mul3A_4, %add3A_89 : i32
    %dma_start3A_91 = tpu.memref_slice %arg3[%add3A_90] : memref<16777216xi32, #tpu.memory_space<hbm>> -> memref<16384xi32, #tpu.memory_space<hbm>>
    %dma_start3A_92 = tpu.memref_slice %arg3[%add3A_90] : memref<16777216xi32, #tpu.memory_space<hbm>> -> memref<16384xi32, #tpu.memory_space<hbm>>
    tpu.enqueue_dma source(%arg8 : memref<16384xi32, #tpu.memory_space<vmem>>) target(%dma_start3A_92 : memref<16384xi32, #tpu.memory_space<hbm>>) target_semaphore(%arg12 : memref<!tpu.dma_semaphore, #tpu.memory_space<semaphore_mem>>)
    %scan3A_93 = arith.constant 0 : i32
    %scan3A_94 = arith.constant 0 : i32
    %scan3A_95 = arith.constant 128 : i32
    %scan3A_96 = arith.addi %scan3A_94, %scan3A_95 : i32
    %scan3A_97 = arith.constant 1 : i32
    scf.for %scan3A_126 = %scan3A_94 to %scan3A_96 step %scan3A_97  : i32 {
      %mul3A_127 = arith.constant 128 : i32
      %mul3A_128 = arith.muli %scan3A_126, %mul3A_127 : i32
      %add3A_129 = arith.constant 0 : i32
      %add3A_130 = arith.addi %mul3A_128, %add3A_129 : i32
      %swap3A_131 = arith.index_cast %add3A_130 : i32 to index
      %swap3A_132 = tpu.vector_load %arg9[%swap3A_131] {strides = array<i32>} : memref<16384xi32, #tpu.memory_space<vmem>>, vector<16xi32>,
      tpu.vector_store %arg9[%swap3A_131], %broadcast_in_dim3A_5 {strides = array<i32>} : memref<16384xi32, #tpu.memory_space<vmem>>, vector<16xi32>,
      %mul3A_133 = arith.constant 128 : i32
      %mul3A_134 = arith.muli %scan3A_126, %mul3A_133 : i32
      %add3A_135 = arith.constant 16 : i32
      %add3A_136 = arith.addi %mul3A_134, %add3A_135 : i32
      %swap3A_137 = arith.index_cast %add3A_136 : i32 to index
      %swap3A_138 = tpu.vector_load %arg9[%swap3A_137] {strides = array<i32>} : memref<16384xi32, #tpu.memory_space<vmem>>, vector<16xi32>,
      tpu.vector_store %arg9[%swap3A_137], %broadcast_in_dim3A_5 {strides = array<i32>} : memref<16384xi32, #tpu.memory_space<vmem>>, vector<16xi32>,
      %mul3A_139 = arith.constant 128 : i32
      %mul3A_140 = arith.muli %scan3A_126, %mul3A_139 : i32
      %add3A_141 = arith.constant 32 : i32
      %add3A_142 = arith.addi %mul3A_140, %add3A_141 : i32
      %swap3A_143 = arith.index_cast %add3A_142 : i32 to index
      %swap3A_144 = tpu.vector_load %arg9[%swap3A_143] {strides = array<i32>} : memref<16384xi32, #tpu.memory_space<vmem>>, vector<16xi32>,
      tpu.vector_store %arg9[%swap3A_143], %broadcast_in_dim3A_5 {strides = array<i32>} : memref<16384xi32, #tpu.memory_space<vmem>>, vector<16xi32>,
      %mul3A_145 = arith.constant 128 : i32
      %mul3A_146 = arith.muli %scan3A_126, %mul3A_145 : i32
      %add3A_147 = arith.constant 48 : i32
      %add3A_148 = arith.addi %mul3A_146, %add3A_147 : i32
      %swap3A_149 = arith.index_cast %add3A_148 : i32 to index
      %swap3A_150 = tpu.vector_load %arg9[%swap3A_149] {strides = array<i32>} : memref<16384xi32, #tpu.memory_space<vmem>>, vector<16xi32>,
      tpu.vector_store %arg9[%swap3A_149], %broadcast_in_dim3A_5 {strides = array<i32>} : memref<16384xi32, #tpu.memory_space<vmem>>, vector<16xi32>,
      %mul3A_151 = arith.constant 128 : i32
      %mul3A_152 = arith.muli %scan3A_126, %mul3A_151 : i32
      %add3A_153 = arith.constant 64 : i32
      %add3A_154 = arith.addi %mul3A_152, %add3A_153 : i32
      %swap3A_155 = arith.index_cast %add3A_154 : i32 to index
      %swap3A_156 = tpu.vector_load %arg9[%swap3A_155] {strides = array<i32>} : memref<16384xi32, #tpu.memory_space<vmem>>, vector<16xi32>,
      tpu.vector_store %arg9[%swap3A_155], %broadcast_in_dim3A_5 {strides = array<i32>} : memref<16384xi32, #tpu.memory_space<vmem>>, vector<16xi32>,
      %mul3A_157 = arith.constant 128 : i32
      %mul3A_158 = arith.muli %scan3A_126, %mul3A_157 : i32
      %add3A_159 = arith.constant 80 : i32
      %add3A_160 = arith.addi %mul3A_158, %add3A_159 : i32
      %swap3A_161 = arith.index_cast %add3A_160 : i32 to index
      %swap3A_162 = tpu.vector_load %arg9[%swap3A_161] {strides = array<i32>} : memref<16384xi32, #tpu.memory_space<vmem>>, vector<16xi32>,
      tpu.vector_store %arg9[%swap3A_161], %broadcast_in_dim3A_5 {strides = array<i32>} : memref<16384xi32, #tpu.memory_space<vmem>>, vector<16xi32>,
      %mul3A_163 = arith.constant 128 : i32
      %mul3A_164 = arith.muli %scan3A_126, %mul3A_163 : i32
      %add3A_165 = arith.constant 96 : i32
      %add3A_166 = arith.addi %mul3A_164, %add3A_165 : i32
      %swap3A_167 = arith.index_cast %add3A_166 : i32 to index
      %swap3A_168 = tpu.vector_load %arg9[%swap3A_167] {strides = array<i32>} : memref<16384xi32, #tpu.memory_space<vmem>>, vector<16xi32>,
      tpu.vector_store %arg9[%swap3A_167], %broadcast_in_dim3A_5 {strides = array<i32>} : memref<16384xi32, #tpu.memory_space<vmem>>, vector<16xi32>,
      %mul3A_169 = arith.constant 128 : i32
      %mul3A_170 = arith.muli %scan3A_126, %mul3A_169 : i32
      %add3A_171 = arith.constant 112 : i32
      %add3A_172 = arith.addi %mul3A_170, %add3A_171 : i32
      %swap3A_173 = arith.index_cast %add3A_172 : i32 to index
      %swap3A_174 = tpu.vector_load %arg9[%swap3A_173] {strides = array<i32>} : memref<16384xi32, #tpu.memory_space<vmem>>, vector<16xi32>,
      tpu.vector_store %arg9[%swap3A_173], %broadcast_in_dim3A_5 {strides = array<i32>} : memref<16384xi32, #tpu.memory_space<vmem>>, vector<16xi32>,
    }
    %scan3A_98 = arith.constant 128 : i32
    %while3A_99 = arith.constant 0 : i32
    %while3A_100 = arith.constant 0 : i32
    %while3A_101 = arith.subi %select_n3A, %while3A_100 : i32
    %while3A_102 = arith.addi %while3A_100, %while3A_101 : i32
    %while3A_103 = arith.constant 1 : i32
    %while3A_104 = arith.divsi %while3A_101, %while3A_103 : i32
    %while3A_105 = arith.muli %while3A_104, %while3A_103 : i32
    %while3A_106 = arith.addi %while3A_100, %while3A_105 : i32
    %while3A_107 = arith.constant 1 : i32
    scf.for %while3A_126 = %while3A_100 to %while3A_106 step %while3A_107  : i32 {
      %mul3A_127 = arith.constant 16 : i32
      %mul3A_128 = arith.muli %while3A_126, %mul3A_127 : i32
      %get3A = arith.index_cast %mul3A_128 : i32 to index
      %get3A_129 = tpu.vector_load %arg5[%get3A] {strides = array<i32>} : memref<4112xi32, #tpu.memory_space<vmem>>, vector<16xi32>,
      %ge3A = arith.constant -16384 : i32
      %ge3A_130 = vector.broadcast %ge3A : i32 to vector<16xi32>
      %ge3A_131 = arith.cmpi sge, %get3A_129, %ge3A_130 : vector<16xi32>
      %lt3A = arith.constant 0 : i32
      %lt3A_132 = vector.broadcast %lt3A : i32 to vector<16xi32>
      %lt3A_133 = arith.cmpi slt, %get3A_129, %lt3A_132 : vector<16xi32>
      %and3A_134 = arith.andi %ge3A_131, %lt3A_133 : vector<16xi1>
      %sub3A_135 = arith.constant -16384 : i32
      %sub3A_136 = vector.broadcast %sub3A_135 : i32 to vector<16xi32>
      %sub3A_137 = arith.subi %get3A_129, %sub3A_136 : vector<16xi32>
      %select_n3A_138 = arith.select %and3A_134, %sub3A_137, %broadcast_in_dim3A_5 : vector<16xi1>, vector<16xi32>
      tpu.vector_store_idx %arg9[%select_n3A_138], %broadcast_in_dim3A_5 masked %and3A_134 : memref<16384xi32, #tpu.memory_space<vmem>>[vector<16xi32>], vector<16xi32>, vector<16xi1>
      %ge3A_139 = arith.constant 49152 : i32
      %ge3A_140 = vector.broadcast %ge3A_139 : i32 to vector<16xi32>
      %ge3A_141 = arith.cmpi sge, %get3A_129, %ge3A_140 : vector<16xi32>
      %lt3A_142 = arith.constant 65536 : i32
      %lt3A_143 = vector.broadcast %lt3A_142 : i32 to vector<16xi32>
      %lt3A_144 = arith.cmpi slt, %get3A_129, %lt3A_143 : vector<16xi32>
      %and3A_145 = arith.andi %ge3A_141, %lt3A_144 : vector<16xi1>
      %sub3A_146 = arith.constant 49152 : i32
      %sub3A_147 = vector.broadcast %sub3A_146 : i32 to vector<16xi32>
      %sub3A_148 = arith.subi %get3A_129, %sub3A_147 : vector<16xi32>
      %select_n3A_149 = arith.select %and3A_145, %sub3A_148, %broadcast_in_dim3A_5 : vector<16xi1>, vector<16xi32>
      tpu.vector_store_idx %arg9[%select_n3A_149], %broadcast_in_dim3A_7 masked %and3A_145 : memref<16384xi32, #tpu.memory_space<vmem>>[vector<16xi32>], vector<16xi32>, vector<16xi1>
    }
    %while3A_108 = arith.constant 1 : i32
    scf.for %while3A_126 = %while3A_106 to %while3A_102 step %while3A_108  : i32 {
      %mul3A_127 = arith.constant 16 : i32
      %mul3A_128 = arith.muli %while3A_126, %mul3A_127 : i32
      %get3A = arith.index_cast %mul3A_128 : i32 to index
      %get3A_129 = tpu.vector_load %arg5[%get3A] {strides = array<i32>} : memref<4112xi32, #tpu.memory_space<vmem>>, vector<16xi32>,
      %ge3A = arith.constant -16384 : i32
      %ge3A_130 = vector.broadcast %ge3A : i32 to vector<16xi32>
      %ge3A_131 = arith.cmpi sge, %get3A_129, %ge3A_130 : vector<16xi32>
      %lt3A = arith.constant 0 : i32
      %lt3A_132 = vector.broadcast %lt3A : i32 to vector<16xi32>
      %lt3A_133 = arith.cmpi slt, %get3A_129, %lt3A_132 : vector<16xi32>
      %and3A_134 = arith.andi %ge3A_131, %lt3A_133 : vector<16xi1>
      %sub3A_135 = arith.constant -16384 : i32
      %sub3A_136 = vector.broadcast %sub3A_135 : i32 to vector<16xi32>
      %sub3A_137 = arith.subi %get3A_129, %sub3A_136 : vector<16xi32>
      %select_n3A_138 = arith.select %and3A_134, %sub3A_137, %broadcast_in_dim3A_5 : vector<16xi1>, vector<16xi32>
      tpu.vector_store_idx %arg9[%select_n3A_138], %broadcast_in_dim3A_5 masked %and3A_134 : memref<16384xi32, #tpu.memory_space<vmem>>[vector<16xi32>], vector<16xi32>, vector<16xi1>
      %ge3A_139 = arith.constant 49152 : i32
      %ge3A_140 = vector.broadcast %ge3A_139 : i32 to vector<16xi32>
      %ge3A_141 = arith.cmpi sge, %get3A_129, %ge3A_140 : vector<16xi32>
      %lt3A_142 = arith.constant 65536 : i32
      %lt3A_143 = vector.broadcast %lt3A_142 : i32 to vector<16xi32>
      %lt3A_144 = arith.cmpi slt, %get3A_129, %lt3A_143 : vector<16xi32>
      %and3A_145 = arith.andi %ge3A_141, %lt3A_144 : vector<16xi1>
      %sub3A_146 = arith.constant 49152 : i32
      %sub3A_147 = vector.broadcast %sub3A_146 : i32 to vector<16xi32>
      %sub3A_148 = arith.subi %get3A_129, %sub3A_147 : vector<16xi32>
      %select_n3A_149 = arith.select %and3A_145, %sub3A_148, %broadcast_in_dim3A_5 : vector<16xi1>, vector<16xi32>
      tpu.vector_store_idx %arg9[%select_n3A_149], %broadcast_in_dim3A_7 masked %and3A_145 : memref<16384xi32, #tpu.memory_space<vmem>>[vector<16xi32>], vector<16xi32>, vector<16xi1>
    }
    %add3A_109 = arith.constant 49152 : i32
    %add3A_110 = arith.addi %mul3A_4, %add3A_109 : i32
    %dma_start3A_111 = tpu.memref_slice %arg3[%add3A_110] : memref<16777216xi32, #tpu.memory_space<hbm>> -> memref<16384xi32, #tpu.memory_space<hbm>>
    %dma_start3A_112 = tpu.memref_slice %arg3[%add3A_110] : memref<16777216xi32, #tpu.memory_space<hbm>> -> memref<16384xi32, #tpu.memory_space<hbm>>
    tpu.enqueue_dma source(%arg9 : memref<16384xi32, #tpu.memory_space<vmem>>) target(%dma_start3A_112 : memref<16384xi32, #tpu.memory_space<hbm>>) target_semaphore(%arg13 : memref<!tpu.dma_semaphore, #tpu.memory_space<semaphore_mem>>)
    %scan3A_113 = arith.constant 0 : i32
    %scan3A_114 = arith.constant 1 : i32
    %scan3A_115 = arith.constant 7 : i32
    %scan3A_116 = arith.addi %scan3A_114, %scan3A_115 : i32
    %scan3A_117 = arith.constant 1 : i32
    scf.for %scan3A_126 = %scan3A_114 to %scan3A_116 step %scan3A_117  : i32 {
      %mul3A_127 = arith.constant 4 : i32
      %mul3A_128 = arith.muli %scan3A_126, %mul3A_127 : i32
      %add3A_129 = arith.constant 0 : i32
      %add3A_130 = arith.addi %mul3A_128, %add3A_129 : i32
      %mul3A_131 = arith.constant 16384 : i32
      %mul3A_132 = arith.muli %add3A_130, %mul3A_131 : i32
      %dma_wait3A_133 = tpu.memref_slice %arg3[%mul3A_4] : memref<16777216xi32, #tpu.memory_space<hbm>> -> memref<16384xi32, #tpu.memory_space<hbm>>
      %dma_wait3A_134 = tpu.memref_slice %arg3[%mul3A_4] : memref<16777216xi32, #tpu.memory_space<hbm>> -> memref<16384xi32, #tpu.memory_space<hbm>>
      tpu.wait_dma2 semaphore(%arg10 : memref<!tpu.dma_semaphore, #tpu.memory_space<semaphore_mem>>) src(%arg6 : memref<16384xi32, #tpu.memory_space<vmem>>) dst(%dma_wait3A_134 : memref<16384xi32, #tpu.memory_space<hbm>>)
      %while3A_135 = arith.constant 0 : i32
      %while3A_136 = arith.constant 0 : i32
      %while3A_137 = arith.subi %select_n3A, %while3A_136 : i32
      %while3A_138 = arith.addi %while3A_136, %while3A_137 : i32
      %while3A_139 = arith.constant 1 : i32
      %while3A_140 = arith.divsi %while3A_137, %while3A_139 : i32
      %while3A_141 = arith.muli %while3A_140, %while3A_139 : i32
      %while3A_142 = arith.addi %while3A_136, %while3A_141 : i32
      %while3A_143 = arith.constant 1 : i32
      scf.for %while3A_211 = %while3A_136 to %while3A_142 step %while3A_143  : i32 {
        %mul3A_212 = arith.constant 16 : i32
        %mul3A_213 = arith.muli %while3A_211, %mul3A_212 : i32
        %get3A = arith.index_cast %mul3A_213 : i32 to index
        %get3A_214 = tpu.vector_load %arg5[%get3A] {strides = array<i32>} : memref<4112xi32, #tpu.memory_space<vmem>>, vector<16xi32>,
        %sub3A_215 = arith.constant 65536 : i32
        %sub3A_216 = arith.subi %mul3A_132, %sub3A_215 : i32
        %ge3A = vector.broadcast %sub3A_216 : i32 to vector<16xi32>
        %ge3A_217 = arith.cmpi sge, %get3A_214, %ge3A : vector<16xi32>
        %sub3A_218 = arith.constant 49152 : i32
        %sub3A_219 = arith.subi %mul3A_132, %sub3A_218 : i32
        %lt3A = vector.broadcast %sub3A_219 : i32 to vector<16xi32>
        %lt3A_220 = arith.cmpi slt, %get3A_214, %lt3A : vector<16xi32>
        %and3A_221 = arith.andi %ge3A_217, %lt3A_220 : vector<16xi1>
        %sub3A_222 = arith.constant 65536 : i32
        %sub3A_223 = arith.subi %mul3A_132, %sub3A_222 : i32
        %sub3A_224 = vector.broadcast %sub3A_223 : i32 to vector<16xi32>
        %sub3A_225 = arith.subi %get3A_214, %sub3A_224 : vector<16xi32>
        %select_n3A_226 = arith.select %and3A_221, %sub3A_225, %broadcast_in_dim3A_5 : vector<16xi1>, vector<16xi32>
        tpu.vector_store_idx %arg6[%select_n3A_226], %broadcast_in_dim3A_5 masked %and3A_221 : memref<16384xi32, #tpu.memory_space<vmem>>[vector<16xi32>], vector<16xi32>, vector<16xi1>
        %ge3A_227 = vector.broadcast %mul3A_132 : i32 to vector<16xi32>
        %ge3A_228 = arith.cmpi sge, %get3A_214, %ge3A_227 : vector<16xi32>
        %add3A_229 = arith.constant 16384 : i32
        %add3A_230 = arith.addi %mul3A_132, %add3A_229 : i32
        %lt3A_231 = vector.broadcast %add3A_230 : i32 to vector<16xi32>
        %lt3A_232 = arith.cmpi slt, %get3A_214, %lt3A_231 : vector<16xi32>
        %and3A_233 = arith.andi %ge3A_228, %lt3A_232 : vector<16xi1>
        %sub3A_234 = vector.broadcast %mul3A_132 : i32 to vector<16xi32>
        %sub3A_235 = arith.subi %get3A_214, %sub3A_234 : vector<16xi32>
        %select_n3A_236 = arith.select %and3A_233, %sub3A_235, %broadcast_in_dim3A_5 : vector<16xi1>, vector<16xi32>
        tpu.vector_store_idx %arg6[%select_n3A_236], %broadcast_in_dim3A_7 masked %and3A_233 : memref<16384xi32, #tpu.memory_space<vmem>>[vector<16xi32>], vector<16xi32>, vector<16xi1>
      }
      %while3A_144 = arith.constant 1 : i32
      scf.for %while3A_211 = %while3A_142 to %while3A_138 step %while3A_144  : i32 {
        %mul3A_212 = arith.constant 16 : i32
        %mul3A_213 = arith.muli %while3A_211, %mul3A_212 : i32
        %get3A = arith.index_cast %mul3A_213 : i32 to index
        %get3A_214 = tpu.vector_load %arg5[%get3A] {strides = array<i32>} : memref<4112xi32, #tpu.memory_space<vmem>>, vector<16xi32>,
        %sub3A_215 = arith.constant 65536 : i32
        %sub3A_216 = arith.subi %mul3A_132, %sub3A_215 : i32
        %ge3A = vector.broadcast %sub3A_216 : i32 to vector<16xi32>
        %ge3A_217 = arith.cmpi sge, %get3A_214, %ge3A : vector<16xi32>
        %sub3A_218 = arith.constant 49152 : i32
        %sub3A_219 = arith.subi %mul3A_132, %sub3A_218 : i32
        %lt3A = vector.broadcast %sub3A_219 : i32 to vector<16xi32>
        %lt3A_220 = arith.cmpi slt, %get3A_214, %lt3A : vector<16xi32>
        %and3A_221 = arith.andi %ge3A_217, %lt3A_220 : vector<16xi1>
        %sub3A_222 = arith.constant 65536 : i32
        %sub3A_223 = arith.subi %mul3A_132, %sub3A_222 : i32
        %sub3A_224 = vector.broadcast %sub3A_223 : i32 to vector<16xi32>
        %sub3A_225 = arith.subi %get3A_214, %sub3A_224 : vector<16xi32>
        %select_n3A_226 = arith.select %and3A_221, %sub3A_225, %broadcast_in_dim3A_5 : vector<16xi1>, vector<16xi32>
        tpu.vector_store_idx %arg6[%select_n3A_226], %broadcast_in_dim3A_5 masked %and3A_221 : memref<16384xi32, #tpu.memory_space<vmem>>[vector<16xi32>], vector<16xi32>, vector<16xi1>
        %ge3A_227 = vector.broadcast %mul3A_132 : i32 to vector<16xi32>
        %ge3A_228 = arith.cmpi sge, %get3A_214, %ge3A_227 : vector<16xi32>
        %add3A_229 = arith.constant 16384 : i32
        %add3A_230 = arith.addi %mul3A_132, %add3A_229 : i32
        %lt3A_231 = vector.broadcast %add3A_230 : i32 to vector<16xi32>
        %lt3A_232 = arith.cmpi slt, %get3A_214, %lt3A_231 : vector<16xi32>
        %and3A_233 = arith.andi %ge3A_228, %lt3A_232 : vector<16xi1>
        %sub3A_234 = vector.broadcast %mul3A_132 : i32 to vector<16xi32>
        %sub3A_235 = arith.subi %get3A_214, %sub3A_234 : vector<16xi32>
        %select_n3A_236 = arith.select %and3A_233, %sub3A_235, %broadcast_in_dim3A_5 : vector<16xi1>, vector<16xi32>
        tpu.vector_store_idx %arg6[%select_n3A_236], %broadcast_in_dim3A_7 masked %and3A_233 : memref<16384xi32, #tpu.memory_space<vmem>>[vector<16xi32>], vector<16xi32>, vector<16xi1>
      }
      %add3A_145 = arith.addi %mul3A_4, %mul3A_132 : i32
      %dma_start3A_146 = tpu.memref_slice %arg3[%add3A_145] : memref<16777216xi32, #tpu.memory_space<hbm>> -> memref<16384xi32, #tpu.memory_space<hbm>>
      %dma_start3A_147 = tpu.memref_slice %arg3[%add3A_145] : memref<16777216xi32, #tpu.memory_space<hbm>> -> memref<16384xi32, #tpu.memory_space<hbm>>
      tpu.enqueue_dma source(%arg6 : memref<16384xi32, #tpu.memory_space<vmem>>) target(%dma_start3A_147 : memref<16384xi32, #tpu.memory_space<hbm>>) target_semaphore(%arg10 : memref<!tpu.dma_semaphore, #tpu.memory_space<semaphore_mem>>)
      %mul3A_148 = arith.constant 4 : i32
      %mul3A_149 = arith.muli %scan3A_126, %mul3A_148 : i32
      %add3A_150 = arith.constant 1 : i32
      %add3A_151 = arith.addi %mul3A_149, %add3A_150 : i32
      %mul3A_152 = arith.constant 16384 : i32
      %mul3A_153 = arith.muli %add3A_151, %mul3A_152 : i32
      %dma_wait3A_154 = tpu.memref_slice %arg3[%mul3A_4] : memref<16777216xi32, #tpu.memory_space<hbm>> -> memref<16384xi32, #tpu.memory_space<hbm>>
      %dma_wait3A_155 = tpu.memref_slice %arg3[%mul3A_4] : memref<16777216xi32, #tpu.memory_space<hbm>> -> memref<16384xi32, #tpu.memory_space<hbm>>
      tpu.wait_dma2 semaphore(%arg11 : memref<!tpu.dma_semaphore, #tpu.memory_space<semaphore_mem>>) src(%arg7 : memref<16384xi32, #tpu.memory_space<vmem>>) dst(%dma_wait3A_155 : memref<16384xi32, #tpu.memory_space<hbm>>)
      %while3A_156 = arith.constant 0 : i32
      %while3A_157 = arith.constant 0 : i32
      %while3A_158 = arith.subi %select_n3A, %while3A_157 : i32
      %while3A_159 = arith.addi %while3A_157, %while3A_158 : i32
      %while3A_160 = arith.constant 1 : i32
      %while3A_161 = arith.divsi %while3A_158, %while3A_160 : i32
      %while3A_162 = arith.muli %while3A_161, %while3A_160 : i32
      %while3A_163 = arith.addi %while3A_157, %while3A_162 : i32
      %while3A_164 = arith.constant 1 : i32
      scf.for %while3A_211 = %while3A_157 to %while3A_163 step %while3A_164  : i32 {
        %mul3A_212 = arith.constant 16 : i32
        %mul3A_213 = arith.muli %while3A_211, %mul3A_212 : i32
        %get3A = arith.index_cast %mul3A_213 : i32 to index
        %get3A_214 = tpu.vector_load %arg5[%get3A] {strides = array<i32>} : memref<4112xi32, #tpu.memory_space<vmem>>, vector<16xi32>,
        %sub3A_215 = arith.constant 65536 : i32
        %sub3A_216 = arith.subi %mul3A_153, %sub3A_215 : i32
        %ge3A = vector.broadcast %sub3A_216 : i32 to vector<16xi32>
        %ge3A_217 = arith.cmpi sge, %get3A_214, %ge3A : vector<16xi32>
        %sub3A_218 = arith.constant 49152 : i32
        %sub3A_219 = arith.subi %mul3A_153, %sub3A_218 : i32
        %lt3A = vector.broadcast %sub3A_219 : i32 to vector<16xi32>
        %lt3A_220 = arith.cmpi slt, %get3A_214, %lt3A : vector<16xi32>
        %and3A_221 = arith.andi %ge3A_217, %lt3A_220 : vector<16xi1>
        %sub3A_222 = arith.constant 65536 : i32
        %sub3A_223 = arith.subi %mul3A_153, %sub3A_222 : i32
        %sub3A_224 = vector.broadcast %sub3A_223 : i32 to vector<16xi32>
        %sub3A_225 = arith.subi %get3A_214, %sub3A_224 : vector<16xi32>
        %select_n3A_226 = arith.select %and3A_221, %sub3A_225, %broadcast_in_dim3A_5 : vector<16xi1>, vector<16xi32>
        tpu.vector_store_idx %arg7[%select_n3A_226], %broadcast_in_dim3A_5 masked %and3A_221 : memref<16384xi32, #tpu.memory_space<vmem>>[vector<16xi32>], vector<16xi32>, vector<16xi1>
        %ge3A_227 = vector.broadcast %mul3A_153 : i32 to vector<16xi32>
        %ge3A_228 = arith.cmpi sge, %get3A_214, %ge3A_227 : vector<16xi32>
        %add3A_229 = arith.constant 16384 : i32
        %add3A_230 = arith.addi %mul3A_153, %add3A_229 : i32
        %lt3A_231 = vector.broadcast %add3A_230 : i32 to vector<16xi32>
        %lt3A_232 = arith.cmpi slt, %get3A_214, %lt3A_231 : vector<16xi32>
        %and3A_233 = arith.andi %ge3A_228, %lt3A_232 : vector<16xi1>
        %sub3A_234 = vector.broadcast %mul3A_153 : i32 to vector<16xi32>
        %sub3A_235 = arith.subi %get3A_214, %sub3A_234 : vector<16xi32>
        %select_n3A_236 = arith.select %and3A_233, %sub3A_235, %broadcast_in_dim3A_5 : vector<16xi1>, vector<16xi32>
        tpu.vector_store_idx %arg7[%select_n3A_236], %broadcast_in_dim3A_7 masked %and3A_233 : memref<16384xi32, #tpu.memory_space<vmem>>[vector<16xi32>], vector<16xi32>, vector<16xi1>
      }
      %while3A_165 = arith.constant 1 : i32
      scf.for %while3A_211 = %while3A_163 to %while3A_159 step %while3A_165  : i32 {
        %mul3A_212 = arith.constant 16 : i32
        %mul3A_213 = arith.muli %while3A_211, %mul3A_212 : i32
        %get3A = arith.index_cast %mul3A_213 : i32 to index
        %get3A_214 = tpu.vector_load %arg5[%get3A] {strides = array<i32>} : memref<4112xi32, #tpu.memory_space<vmem>>, vector<16xi32>,
        %sub3A_215 = arith.constant 65536 : i32
        %sub3A_216 = arith.subi %mul3A_153, %sub3A_215 : i32
        %ge3A = vector.broadcast %sub3A_216 : i32 to vector<16xi32>
        %ge3A_217 = arith.cmpi sge, %get3A_214, %ge3A : vector<16xi32>
        %sub3A_218 = arith.constant 49152 : i32
        %sub3A_219 = arith.subi %mul3A_153, %sub3A_218 : i32
        %lt3A = vector.broadcast %sub3A_219 : i32 to vector<16xi32>
        %lt3A_220 = arith.cmpi slt, %get3A_214, %lt3A : vector<16xi32>
        %and3A_221 = arith.andi %ge3A_217, %lt3A_220 : vector<16xi1>
        %sub3A_222 = arith.constant 65536 : i32
        %sub3A_223 = arith.subi %mul3A_153, %sub3A_222 : i32
        %sub3A_224 = vector.broadcast %sub3A_223 : i32 to vector<16xi32>
        %sub3A_225 = arith.subi %get3A_214, %sub3A_224 : vector<16xi32>
        %select_n3A_226 = arith.select %and3A_221, %sub3A_225, %broadcast_in_dim3A_5 : vector<16xi1>, vector<16xi32>
        tpu.vector_store_idx %arg7[%select_n3A_226], %broadcast_in_dim3A_5 masked %and3A_221 : memref<16384xi32, #tpu.memory_space<vmem>>[vector<16xi32>], vector<16xi32>, vector<16xi1>
        %ge3A_227 = vector.broadcast %mul3A_153 : i32 to vector<16xi32>
        %ge3A_228 = arith.cmpi sge, %get3A_214, %ge3A_227 : vector<16xi32>
        %add3A_229 = arith.constant 16384 : i32
        %add3A_230 = arith.addi %mul3A_153, %add3A_229 : i32
        %lt3A_231 = vector.broadcast %add3A_230 : i32 to vector<16xi32>
        %lt3A_232 = arith.cmpi slt, %get3A_214, %lt3A_231 : vector<16xi32>
        %and3A_233 = arith.andi %ge3A_228, %lt3A_232 : vector<16xi1>
        %sub3A_234 = vector.broadcast %mul3A_153 : i32 to vector<16xi32>
        %sub3A_235 = arith.subi %get3A_214, %sub3A_234 : vector<16xi32>
        %select_n3A_236 = arith.select %and3A_233, %sub3A_235, %broadcast_in_dim3A_5 : vector<16xi1>, vector<16xi32>
        tpu.vector_store_idx %arg7[%select_n3A_236], %broadcast_in_dim3A_7 masked %and3A_233 : memref<16384xi32, #tpu.memory_space<vmem>>[vector<16xi32>], vector<16xi32>, vector<16xi1>
      }
      %add3A_166 = arith.addi %mul3A_4, %mul3A_153 : i32
      %dma_start3A_167 = tpu.memref_slice %arg3[%add3A_166] : memref<16777216xi32, #tpu.memory_space<hbm>> -> memref<16384xi32, #tpu.memory_space<hbm>>
      %dma_start3A_168 = tpu.memref_slice %arg3[%add3A_166] : memref<16777216xi32, #tpu.memory_space<hbm>> -> memref<16384xi32, #tpu.memory_space<hbm>>
      tpu.enqueue_dma source(%arg7 : memref<16384xi32, #tpu.memory_space<vmem>>) target(%dma_start3A_168 : memref<16384xi32, #tpu.memory_space<hbm>>) target_semaphore(%arg11 : memref<!tpu.dma_semaphore, #tpu.memory_space<semaphore_mem>>)
      %mul3A_169 = arith.constant 4 : i32
      %mul3A_170 = arith.muli %scan3A_126, %mul3A_169 : i32
      %add3A_171 = arith.constant 2 : i32
      %add3A_172 = arith.addi %mul3A_170, %add3A_171 : i32
      %mul3A_173 = arith.constant 16384 : i32
      %mul3A_174 = arith.muli %add3A_172, %mul3A_173 : i32
      %dma_wait3A_175 = tpu.memref_slice %arg3[%mul3A_4] : memref<16777216xi32, #tpu.memory_space<hbm>> -> memref<16384xi32, #tpu.memory_space<hbm>>
      %dma_wait3A_176 = tpu.memref_slice %arg3[%mul3A_4] : memref<16777216xi32, #tpu.memory_space<hbm>> -> memref<16384xi32, #tpu.memory_space<hbm>>
      tpu.wait_dma2 semaphore(%arg12 : memref<!tpu.dma_semaphore, #tpu.memory_space<semaphore_mem>>) src(%arg8 : memref<16384xi32, #tpu.memory_space<vmem>>) dst(%dma_wait3A_176 : memref<16384xi32, #tpu.memory_space<hbm>>)
      %while3A_177 = arith.constant 0 : i32
      %while3A_178 = arith.constant 0 : i32
      %while3A_179 = arith.subi %select_n3A, %while3A_178 : i32
      %while3A_180 = arith.addi %while3A_178, %while3A_179 : i32
      %while3A_181 = arith.constant 1 : i32
      %while3A_182 = arith.divsi %while3A_179, %while3A_181 : i32
      %while3A_183 = arith.muli %while3A_182, %while3A_181 : i32
      %while3A_184 = arith.addi %while3A_178, %while3A_183 : i32
      %while3A_185 = arith.constant 1 : i32
      scf.for %while3A_211 = %while3A_178 to %while3A_184 step %while3A_185  : i32 {
        %mul3A_212 = arith.constant 16 : i32
        %mul3A_213 = arith.muli %while3A_211, %mul3A_212 : i32
        %get3A = arith.index_cast %mul3A_213 : i32 to index
        %get3A_214 = tpu.vector_load %arg5[%get3A] {strides = array<i32>} : memref<4112xi32, #tpu.memory_space<vmem>>, vector<16xi32>,
        %sub3A_215 = arith.constant 65536 : i32
        %sub3A_216 = arith.subi %mul3A_174, %sub3A_215 : i32
        %ge3A = vector.broadcast %sub3A_216 : i32 to vector<16xi32>
        %ge3A_217 = arith.cmpi sge, %get3A_214, %ge3A : vector<16xi32>
        %sub3A_218 = arith.constant 49152 : i32
        %sub3A_219 = arith.subi %mul3A_174, %sub3A_218 : i32
        %lt3A = vector.broadcast %sub3A_219 : i32 to vector<16xi32>
        %lt3A_220 = arith.cmpi slt, %get3A_214, %lt3A : vector<16xi32>
        %and3A_221 = arith.andi %ge3A_217, %lt3A_220 : vector<16xi1>
        %sub3A_222 = arith.constant 65536 : i32
        %sub3A_223 = arith.subi %mul3A_174, %sub3A_222 : i32
        %sub3A_224 = vector.broadcast %sub3A_223 : i32 to vector<16xi32>
        %sub3A_225 = arith.subi %get3A_214, %sub3A_224 : vector<16xi32>
        %select_n3A_226 = arith.select %and3A_221, %sub3A_225, %broadcast_in_dim3A_5 : vector<16xi1>, vector<16xi32>
        tpu.vector_store_idx %arg8[%select_n3A_226], %broadcast_in_dim3A_5 masked %and3A_221 : memref<16384xi32, #tpu.memory_space<vmem>>[vector<16xi32>], vector<16xi32>, vector<16xi1>
        %ge3A_227 = vector.broadcast %mul3A_174 : i32 to vector<16xi32>
        %ge3A_228 = arith.cmpi sge, %get3A_214, %ge3A_227 : vector<16xi32>
        %add3A_229 = arith.constant 16384 : i32
        %add3A_230 = arith.addi %mul3A_174, %add3A_229 : i32
        %lt3A_231 = vector.broadcast %add3A_230 : i32 to vector<16xi32>
        %lt3A_232 = arith.cmpi slt, %get3A_214, %lt3A_231 : vector<16xi32>
        %and3A_233 = arith.andi %ge3A_228, %lt3A_232 : vector<16xi1>
        %sub3A_234 = vector.broadcast %mul3A_174 : i32 to vector<16xi32>
        %sub3A_235 = arith.subi %get3A_214, %sub3A_234 : vector<16xi32>
        %select_n3A_236 = arith.select %and3A_233, %sub3A_235, %broadcast_in_dim3A_5 : vector<16xi1>, vector<16xi32>
        tpu.vector_store_idx %arg8[%select_n3A_236], %broadcast_in_dim3A_7 masked %and3A_233 : memref<16384xi32, #tpu.memory_space<vmem>>[vector<16xi32>], vector<16xi32>, vector<16xi1>
      }
      %while3A_186 = arith.constant 1 : i32
      scf.for %while3A_211 = %while3A_184 to %while3A_180 step %while3A_186  : i32 {
        %mul3A_212 = arith.constant 16 : i32
        %mul3A_213 = arith.muli %while3A_211, %mul3A_212 : i32
        %get3A = arith.index_cast %mul3A_213 : i32 to index
        %get3A_214 = tpu.vector_load %arg5[%get3A] {strides = array<i32>} : memref<4112xi32, #tpu.memory_space<vmem>>, vector<16xi32>,
        %sub3A_215 = arith.constant 65536 : i32
        %sub3A_216 = arith.subi %mul3A_174, %sub3A_215 : i32
        %ge3A = vector.broadcast %sub3A_216 : i32 to vector<16xi32>
        %ge3A_217 = arith.cmpi sge, %get3A_214, %ge3A : vector<16xi32>
        %sub3A_218 = arith.constant 49152 : i32
        %sub3A_219 = arith.subi %mul3A_174, %sub3A_218 : i32
        %lt3A = vector.broadcast %sub3A_219 : i32 to vector<16xi32>
        %lt3A_220 = arith.cmpi slt, %get3A_214, %lt3A : vector<16xi32>
        %and3A_221 = arith.andi %ge3A_217, %lt3A_220 : vector<16xi1>
        %sub3A_222 = arith.constant 65536 : i32
        %sub3A_223 = arith.subi %mul3A_174, %sub3A_222 : i32
        %sub3A_224 = vector.broadcast %sub3A_223 : i32 to vector<16xi32>
        %sub3A_225 = arith.subi %get3A_214, %sub3A_224 : vector<16xi32>
        %select_n3A_226 = arith.select %and3A_221, %sub3A_225, %broadcast_in_dim3A_5 : vector<16xi1>, vector<16xi32>
        tpu.vector_store_idx %arg8[%select_n3A_226], %broadcast_in_dim3A_5 masked %and3A_221 : memref<16384xi32, #tpu.memory_space<vmem>>[vector<16xi32>], vector<16xi32>, vector<16xi1>
        %ge3A_227 = vector.broadcast %mul3A_174 : i32 to vector<16xi32>
        %ge3A_228 = arith.cmpi sge, %get3A_214, %ge3A_227 : vector<16xi32>
        %add3A_229 = arith.constant 16384 : i32
        %add3A_230 = arith.addi %mul3A_174, %add3A_229 : i32
        %lt3A_231 = vector.broadcast %add3A_230 : i32 to vector<16xi32>
        %lt3A_232 = arith.cmpi slt, %get3A_214, %lt3A_231 : vector<16xi32>
        %and3A_233 = arith.andi %ge3A_228, %lt3A_232 : vector<16xi1>
        %sub3A_234 = vector.broadcast %mul3A_174 : i32 to vector<16xi32>
        %sub3A_235 = arith.subi %get3A_214, %sub3A_234 : vector<16xi32>
        %select_n3A_236 = arith.select %and3A_233, %sub3A_235, %broadcast_in_dim3A_5 : vector<16xi1>, vector<16xi32>
        tpu.vector_store_idx %arg8[%select_n3A_236], %broadcast_in_dim3A_7 masked %and3A_233 : memref<16384xi32, #tpu.memory_space<vmem>>[vector<16xi32>], vector<16xi32>, vector<16xi1>
      }
      %add3A_187 = arith.addi %mul3A_4, %mul3A_174 : i32
      %dma_start3A_188 = tpu.memref_slice %arg3[%add3A_187] : memref<16777216xi32, #tpu.memory_space<hbm>> -> memref<16384xi32, #tpu.memory_space<hbm>>
      %dma_start3A_189 = tpu.memref_slice %arg3[%add3A_187] : memref<16777216xi32, #tpu.memory_space<hbm>> -> memref<16384xi32, #tpu.memory_space<hbm>>
      tpu.enqueue_dma source(%arg8 : memref<16384xi32, #tpu.memory_space<vmem>>) target(%dma_start3A_189 : memref<16384xi32, #tpu.memory_space<hbm>>) target_semaphore(%arg12 : memref<!tpu.dma_semaphore, #tpu.memory_space<semaphore_mem>>)
      %mul3A_190 = arith.constant 4 : i32
      %mul3A_191 = arith.muli %scan3A_126, %mul3A_190 : i32
      %add3A_192 = arith.constant 3 : i32
      %add3A_193 = arith.addi %mul3A_191, %add3A_192 : i32
      %mul3A_194 = arith.constant 16384 : i32
      %mul3A_195 = arith.muli %add3A_193, %mul3A_194 : i32
      %dma_wait3A_196 = tpu.memref_slice %arg3[%mul3A_4] : memref<16777216xi32, #tpu.memory_space<hbm>> -> memref<16384xi32, #tpu.memory_space<hbm>>
      %dma_wait3A_197 = tpu.memref_slice %arg3[%mul3A_4] : memref<16777216xi32, #tpu.memory_space<hbm>> -> memref<16384xi32, #tpu.memory_space<hbm>>
      tpu.wait_dma2 semaphore(%arg13 : memref<!tpu.dma_semaphore, #tpu.memory_space<semaphore_mem>>) src(%arg9 : memref<16384xi32, #tpu.memory_space<vmem>>) dst(%dma_wait3A_197 : memref<16384xi32, #tpu.memory_space<hbm>>)
      %while3A_198 = arith.constant 0 : i32
      %while3A_199 = arith.constant 0 : i32
      %while3A_200 = arith.subi %select_n3A, %while3A_199 : i32
      %while3A_201 = arith.addi %while3A_199, %while3A_200 : i32
      %while3A_202 = arith.constant 1 : i32
      %while3A_203 = arith.divsi %while3A_200, %while3A_202 : i32
      %while3A_204 = arith.muli %while3A_203, %while3A_202 : i32
      %while3A_205 = arith.addi %while3A_199, %while3A_204 : i32
      %while3A_206 = arith.constant 1 : i32
      scf.for %while3A_211 = %while3A_199 to %while3A_205 step %while3A_206  : i32 {
        %mul3A_212 = arith.constant 16 : i32
        %mul3A_213 = arith.muli %while3A_211, %mul3A_212 : i32
        %get3A = arith.index_cast %mul3A_213 : i32 to index
        %get3A_214 = tpu.vector_load %arg5[%get3A] {strides = array<i32>} : memref<4112xi32, #tpu.memory_space<vmem>>, vector<16xi32>,
        %sub3A_215 = arith.constant 65536 : i32
        %sub3A_216 = arith.subi %mul3A_195, %sub3A_215 : i32
        %ge3A = vector.broadcast %sub3A_216 : i32 to vector<16xi32>
        %ge3A_217 = arith.cmpi sge, %get3A_214, %ge3A : vector<16xi32>
        %sub3A_218 = arith.constant 49152 : i32
        %sub3A_219 = arith.subi %mul3A_195, %sub3A_218 : i32
        %lt3A = vector.broadcast %sub3A_219 : i32 to vector<16xi32>
        %lt3A_220 = arith.cmpi slt, %get3A_214, %lt3A : vector<16xi32>
        %and3A_221 = arith.andi %ge3A_217, %lt3A_220 : vector<16xi1>
        %sub3A_222 = arith.constant 65536 : i32
        %sub3A_223 = arith.subi %mul3A_195, %sub3A_222 : i32
        %sub3A_224 = vector.broadcast %sub3A_223 : i32 to vector<16xi32>
        %sub3A_225 = arith.subi %get3A_214, %sub3A_224 : vector<16xi32>
        %select_n3A_226 = arith.select %and3A_221, %sub3A_225, %broadcast_in_dim3A_5 : vector<16xi1>, vector<16xi32>
        tpu.vector_store_idx %arg9[%select_n3A_226], %broadcast_in_dim3A_5 masked %and3A_221 : memref<16384xi32, #tpu.memory_space<vmem>>[vector<16xi32>], vector<16xi32>, vector<16xi1>
        %ge3A_227 = vector.broadcast %mul3A_195 : i32 to vector<16xi32>
        %ge3A_228 = arith.cmpi sge, %get3A_214, %ge3A_227 : vector<16xi32>
        %add3A_229 = arith.constant 16384 : i32
        %add3A_230 = arith.addi %mul3A_195, %add3A_229 : i32
        %lt3A_231 = vector.broadcast %add3A_230 : i32 to vector<16xi32>
        %lt3A_232 = arith.cmpi slt, %get3A_214, %lt3A_231 : vector<16xi32>
        %and3A_233 = arith.andi %ge3A_228, %lt3A_232 : vector<16xi1>
        %sub3A_234 = vector.broadcast %mul3A_195 : i32 to vector<16xi32>
        %sub3A_235 = arith.subi %get3A_214, %sub3A_234 : vector<16xi32>
        %select_n3A_236 = arith.select %and3A_233, %sub3A_235, %broadcast_in_dim3A_5 : vector<16xi1>, vector<16xi32>
        tpu.vector_store_idx %arg9[%select_n3A_236], %broadcast_in_dim3A_7 masked %and3A_233 : memref<16384xi32, #tpu.memory_space<vmem>>[vector<16xi32>], vector<16xi32>, vector<16xi1>
      }
      %while3A_207 = arith.constant 1 : i32
      scf.for %while3A_211 = %while3A_205 to %while3A_201 step %while3A_207  : i32 {
        %mul3A_212 = arith.constant 16 : i32
        %mul3A_213 = arith.muli %while3A_211, %mul3A_212 : i32
        %get3A = arith.index_cast %mul3A_213 : i32 to index
        %get3A_214 = tpu.vector_load %arg5[%get3A] {strides = array<i32>} : memref<4112xi32, #tpu.memory_space<vmem>>, vector<16xi32>,
        %sub3A_215 = arith.constant 65536 : i32
        %sub3A_216 = arith.subi %mul3A_195, %sub3A_215 : i32
        %ge3A = vector.broadcast %sub3A_216 : i32 to vector<16xi32>
        %ge3A_217 = arith.cmpi sge, %get3A_214, %ge3A : vector<16xi32>
        %sub3A_218 = arith.constant 49152 : i32
        %sub3A_219 = arith.subi %mul3A_195, %sub3A_218 : i32
        %lt3A = vector.broadcast %sub3A_219 : i32 to vector<16xi32>
        %lt3A_220 = arith.cmpi slt, %get3A_214, %lt3A : vector<16xi32>
        %and3A_221 = arith.andi %ge3A_217, %lt3A_220 : vector<16xi1>
        %sub3A_222 = arith.constant 65536 : i32
        %sub3A_223 = arith.subi %mul3A_195, %sub3A_222 : i32
        %sub3A_224 = vector.broadcast %sub3A_223 : i32 to vector<16xi32>
        %sub3A_225 = arith.subi %get3A_214, %sub3A_224 : vector<16xi32>
        %select_n3A_226 = arith.select %and3A_221, %sub3A_225, %broadcast_in_dim3A_5 : vector<16xi1>, vector<16xi32>
        tpu.vector_store_idx %arg9[%select_n3A_226], %broadcast_in_dim3A_5 masked %and3A_221 : memref<16384xi32, #tpu.memory_space<vmem>>[vector<16xi32>], vector<16xi32>, vector<16xi1>
        %ge3A_227 = vector.broadcast %mul3A_195 : i32 to vector<16xi32>
        %ge3A_228 = arith.cmpi sge, %get3A_214, %ge3A_227 : vector<16xi32>
        %add3A_229 = arith.constant 16384 : i32
        %add3A_230 = arith.addi %mul3A_195, %add3A_229 : i32
        %lt3A_231 = vector.broadcast %add3A_230 : i32 to vector<16xi32>
        %lt3A_232 = arith.cmpi slt, %get3A_214, %lt3A_231 : vector<16xi32>
        %and3A_233 = arith.andi %ge3A_228, %lt3A_232 : vector<16xi1>
        %sub3A_234 = vector.broadcast %mul3A_195 : i32 to vector<16xi32>
        %sub3A_235 = arith.subi %get3A_214, %sub3A_234 : vector<16xi32>
        %select_n3A_236 = arith.select %and3A_233, %sub3A_235, %broadcast_in_dim3A_5 : vector<16xi1>, vector<16xi32>
        tpu.vector_store_idx %arg9[%select_n3A_236], %broadcast_in_dim3A_7 masked %and3A_233 : memref<16384xi32, #tpu.memory_space<vmem>>[vector<16xi32>], vector<16xi32>, vector<16xi1>
      }
      %add3A_208 = arith.addi %mul3A_4, %mul3A_195 : i32
      %dma_start3A_209 = tpu.memref_slice %arg3[%add3A_208] : memref<16777216xi32, #tpu.memory_space<hbm>> -> memref<16384xi32, #tpu.memory_space<hbm>>
      %dma_start3A_210 = tpu.memref_slice %arg3[%add3A_208] : memref<16777216xi32, #tpu.memory_space<hbm>> -> memref<16384xi32, #tpu.memory_space<hbm>>
      tpu.enqueue_dma source(%arg9 : memref<16384xi32, #tpu.memory_space<vmem>>) target(%dma_start3A_210 : memref<16384xi32, #tpu.memory_space<hbm>>) target_semaphore(%arg13 : memref<!tpu.dma_semaphore, #tpu.memory_space<semaphore_mem>>)
    }
    %scan3A_118 = arith.constant 7 : i32
    %dma_wait3A = tpu.memref_slice %arg3[%mul3A_4] : memref<16777216xi32, #tpu.memory_space<hbm>> -> memref<16384xi32, #tpu.memory_space<hbm>>
    %dma_wait3A_119 = tpu.memref_slice %arg3[%mul3A_4] : memref<16777216xi32, #tpu.memory_space<hbm>> -> memref<16384xi32, #tpu.memory_space<hbm>>
    tpu.wait_dma2 semaphore(%arg10 : memref<!tpu.dma_semaphore, #tpu.memory_space<semaphore_mem>>) src(%arg6 : memref<16384xi32, #tpu.memory_space<vmem>>) dst(%dma_wait3A_119 : memref<16384xi32, #tpu.memory_space<hbm>>)
    %dma_wait3A_120 = tpu.memref_slice %arg3[%mul3A_4] : memref<16777216xi32, #tpu.memory_space<hbm>> -> memref<16384xi32, #tpu.memory_space<hbm>>
    %dma_wait3A_121 = tpu.memref_slice %arg3[%mul3A_4] : memref<16777216xi32, #tpu.memory_space<hbm>> -> memref<16384xi32, #tpu.memory_space<hbm>>
    tpu.wait_dma2 semaphore(%arg11 : memref<!tpu.dma_semaphore, #tpu.memory_space<semaphore_mem>>) src(%arg7 : memref<16384xi32, #tpu.memory_space<vmem>>) dst(%dma_wait3A_121 : memref<16384xi32, #tpu.memory_space<hbm>>)
    %dma_wait3A_122 = tpu.memref_slice %arg3[%mul3A_4] : memref<16777216xi32, #tpu.memory_space<hbm>> -> memref<16384xi32, #tpu.memory_space<hbm>>
    %dma_wait3A_123 = tpu.memref_slice %arg3[%mul3A_4] : memref<16777216xi32, #tpu.memory_space<hbm>> -> memref<16384xi32, #tpu.memory_space<hbm>>
    tpu.wait_dma2 semaphore(%arg12 : memref<!tpu.dma_semaphore, #tpu.memory_space<semaphore_mem>>) src(%arg8 : memref<16384xi32, #tpu.memory_space<vmem>>) dst(%dma_wait3A_123 : memref<16384xi32, #tpu.memory_space<hbm>>)
    %dma_wait3A_124 = tpu.memref_slice %arg3[%mul3A_4] : memref<16777216xi32, #tpu.memory_space<hbm>> -> memref<16384xi32, #tpu.memory_space<hbm>>
    %dma_wait3A_125 = tpu.memref_slice %arg3[%mul3A_4] : memref<16777216xi32, #tpu.memory_space<hbm>> -> memref<16384xi32, #tpu.memory_space<hbm>>
    tpu.wait_dma2 semaphore(%arg13 : memref<!tpu.dma_semaphore, #tpu.memory_space<semaphore_mem>>) src(%arg9 : memref<16384xi32, #tpu.memory_space<vmem>>) dst(%dma_wait3A_125 : memref<16384xi32, #tpu.memory_space<hbm>>)
    return
  }
}

</mosaic_0001>

<sc_bundles>
// kernel: kernel.3.cloned.1.call-start
scs
__scs_entry_jumppad:
0x0: {  	(pc) =	sbr.rel $0x88, $3  }
0x1: {  	(tag) =	ssettag $0x0;
	lr =	simm.s32 $0x1  }
0x2: {  	[smem:$0x3FA0] =	sst lr;
	_ =	strace $0xD0000000  }
0x3: {  	_ = 	snop  }
0x4: {  	_ = 	snop  }
0x5: {  	_ = 	snop  }
0x6: {  	_ = 	snop  }
0x7: {  	_ = 	snop  }
__scs_overlays_trampoline_lowered:
0x8: {  	[smem:$0x3FAF] =	sst s0  }
0x9: {  	[smem:$0x3FB0] =	sst s1  }
0xa: {  	[smem:$0x3FB1] =	sst s2  }
0xb: {  	[smem:$0x3FB2] =	sst s3  }
0xc: {  	[smem:$0x3FB3] =	sst s4  }
0xd: {  	[smem:$0x3FB4] =	sst s5  }
0xe: {  	[smem:$0x3FB5] =	sst s6  }
0xf: {  	[smem:$0x3FB6] =	sst s7  }
0x10: {  	[smem:$0x3FB7] =	sst s8  }
0x11: {  	[smem:$0x3FB8] =	sst s9;
	s0 =	simm.s32 @!p0 $0x0  }
0x12: {  	s1 =	sld [smem:$0x3F9E];
	s0 =	simm.s32 @p0 $0x1  }
0x13: {  	[smem:$0x3FB9] =	sst s0;
	s0 =	simm.s32 @!p1 $0x0  }
0x14: {  	s2 =	sld [smem:$0x3F9D];
	s0 =	simm.s32 @p1 $0x1  }
0x15: {  	[smem:$0x3FBA] =	sst s0;
	s0 =	simm.s32 @!p2 $0x0  }
0x16: {  	s3 =	sld [smem:$0x3FDB];
	s0 =	simm.s32 @p2 $0x1  }
0x17: {  	s4 =	simm.s32 $0x1BF5;
	[smem:$0x3FBC] =	sst s0  }
0x18: {  	s0 =	sld [smem:$0x3F9F];
	_ =	swait.ge [sflag:s4], $0x0  }
0x19: {  	s7 =	sld [smem:$0x3FA0]  }
0x1a: {  	s8 =	sadd.s32 $0xFFFFE003, lr  }
0x1b: {  	s9 =	sadd.s32 $0xFFFFFEF7, lr;
	s5 =	simm.s32 $0xFFFFFFFF;
	p2 =	slt.u32 s8, $0xFFFFF086  }
0x1c: {  	p1 =	slt.u32 s9, $0xF7A;
	s5 =	simm.s32 @!p2 $0x0  }
0x1d: {  	s5 =	simm.s32 @p1 $0x1;
	p0 =	seq.s32 s7, s2  }
0x1e: {  	s7 =	smul.u32 @!p0 $0xF7A, s2;
	p2 =	seq.s32 @!p0 s5, $0x0  }
0x1f: {  	s9 =	smul.u32 $0xF7A, s1;
	s8 =	simm.s32 @!p0 $0x1BF5;
	p2 =	por !p2, p0  }
0x20: {  	[sflag:s8] =	ssyncset.s32 @!p0 $0xFFFFF086;
	s6 =	sadd.s32 @!p0 s3, s7;
	s7 =	simm.s32 @!p0 $0x108  }
0x21: {  	s3 =	sadd.s32 s3, s9;
	s6 =	sadd.s32 @!p0 $0x88, s6;
	s7 =	simm.s32 @p2 $0x1082  }
0x22: {  	[simem:s7], [sflag:s8] =	dma.local @!p0 [hbm:s6], $0xF7A  }
0x23: {  	s9 =	sor.u32 $0xD0000000, s2;
	s6 =	simm.s32 $0x108;
	_ =	swait.ge @!p0 [sflag:s8], $0x0  }
0x24: {  	s3 =	sadd.s32 $0x88, s3;
	s6 =	simm.s32 @!p1 $0x1082;
	[sflag:s4] =	ssyncset.s32 $0xFFFFF086  }
0x25: {  	[simem:s6], [sflag:s4] =	dma.local [hbm:s3], $0xF7A  }
0x26: {  	[smem:$0x3FA0] =	sst s1;
	(tag) =	ssettag s2;
	_ =	strace s9  }
0x27: {  	s1 =	sld [smem:$0x3FB0]  }
0x28: {  	s2 =	sld [smem:$0x3FB1]  }
0x29: {  	s4 =	sld [smem:$0x3FB3]  }
0x2a: {  	p0 =	seq.s32 s5, $0x0;
	s5 =	sld [smem:$0x3FB4]  }
0x2b: {  	s6 =	sld [smem:$0x3FB5]  }
0x2c: {  	s7 =	sld [smem:$0x3FB6]  }
0x2d: {  	s3 =	simm.s32 $0x108;
	s8 =	sld [smem:$0x3FB7]  }
0x2e: {  	s3 =	simm.s32 @!p0 $0x1082;
	s9 =	sld [smem:$0x3FB8]  }
0x2f: {  	lr =	sadd.s32 s0, s3;
	s0 =	sld [smem:$0x3FAF]  }
0x30: {  	s3 =	sld [smem:$0x3FB2]  }
0x31: {  	[smem:$0x3FBB] =	sst s10  }
0x32: {  	s10 =	sld [smem:$0x3FB9];
	_ =	sdelay $0x3  }
0x33: {  	p0 =	seq.s32 s10, $0x1;
	s10 =	sld [smem:$0x3FBB];
	_ =	sdelay $0x3  }
0x34: {  	[smem:$0x3FBB] =	sst s10  }
0x35: {  	s10 =	sld [smem:$0x3FBA];
	_ =	sdelay $0x3  }
0x36: {  	p1 =	seq.s32 s10, $0x1;
	s10 =	sld [smem:$0x3FBB];
	_ =	sdelay $0x3  }
0x37: {  	[smem:$0x3FBB] =	sst s10  }
0x38: {  	s10 =	sld [smem:$0x3FBC]  }
0x39: {  	_ = 	snop;
	(pc) =	sbr.ind lr, $3  }
0x3a: {  	_ = 	snop  }
0x3b: {  	_ = 	snop  }
0x3c: {  	p2 =	seq.s32 s10, $0x1;
	s10 =	sld [smem:$0x3FBB]  }
0x3d: {  	_ =	shalt  }
0x3e: {  	_ =	shalt  }
0x3f: {  	_ =	shalt  }
0x40: {  	_ =	shalt  }
0x41: {  	_ =	shalt  }
0x42: {  	_ =	shalt  }
0x43: {  	_ =	shalt  }
0x44: {  	_ =	shalt  }
0x45: {  	_ =	shalt  }
0x46: {  	_ =	shalt  }
0x47: {  	_ =	shalt  }
0x48: {  	_ =	shalt  }
0x49: {  	_ =	shalt  }
0x4a: {  	_ =	shalt  }
0x4b: {  	_ =	shalt  }
0x4c: {  	_ =	shalt  }
0x4d: {  	_ =	shalt  }
0x4e: {  	_ =	shalt  }
0x4f: {  	_ =	shalt  }
0x50: {  	_ =	shalt  }
0x51: {  	_ =	shalt  }
0x52: {  	_ =	shalt  }
0x53: {  	_ =	shalt  }
0x54: {  	_ =	shalt  }
0x55: {  	_ =	shalt  }
0x56: {  	_ =	shalt  }
0x57: {  	_ =	shalt  }
0x58: {  	_ =	shalt  }
0x59: {  	_ =	shalt  }
0x5a: {  	_ =	shalt  }
0x5b: {  	_ =	shalt  }
0x5c: {  	_ =	shalt  }
0x5d: {  	_ =	shalt  }
0x5e: {  	_ =	shalt  }
0x5f: {  	_ =	shalt  }
0x60: {  	_ =	shalt  }
0x61: {  	_ =	shalt  }
0x62: {  	_ =	shalt  }
0x63: {  	_ =	shalt  }
0x64: {  	_ =	shalt  }
0x65: {  	_ =	shalt  }
0x66: {  	_ =	shalt  }
0x67: {  	_ =	shalt  }
0x68: {  	_ =	shalt  }
0x69: {  	_ =	shalt  }
0x6a: {  	_ =	shalt  }
0x6b: {  	_ =	shalt  }
0x6c: {  	_ =	shalt  }
0x6d: {  	_ =	shalt  }
0x6e: {  	_ =	shalt  }
0x6f: {  	_ =	shalt  }
0x70: {  	_ =	shalt  }
0x71: {  	_ =	shalt  }
0x72: {  	_ =	shalt  }
0x73: {  	_ =	shalt  }
0x74: {  	_ =	shalt  }
0x75: {  	_ =	shalt  }
0x76: {  	_ =	shalt  }
0x77: {  	_ =	shalt  }
0x78: {  	_ =	shalt  }
0x79: {  	_ =	shalt  }
0x7a: {  	_ =	shalt  }
0x7b: {  	_ =	shalt  }
0x7c: {  	_ =	shalt  }
0x7d: {  	_ =	shalt  }
0x7e: {  	_ =	shalt  }
0x7f: {  	_ =	shalt  }
0x80: {  	_ =	shalt  }
0x81: {  	_ =	shalt  }
0x82: {  	_ =	shalt  }
0x83: {  	_ =	shalt  }
0x84: {  	_ =	shalt  }
0x85: {  	_ =	shalt  }
0x86: {  	_ =	shalt  }
0x87: {  	_ =	shalt  }
.Lfunc_end0:
.L_simem_size_0:
called_computation_lowered:
.L_overlay_start_0:
0x88: {  	s2 =	sld [smem:$0x3FD9]  }
0x89: {  	s3 =	sld [smem:$0x3FFE];
	_ =	sdelay $0x1  }
0x8a: {  	s1 =	srdreg.scid  }
0x8b: {  	s0 =	sand.u32 $0x1, s1  }
0x8c: {  	s18 =	sshll.u32 s0, $0xA;
	s2 =	sadd.s32 s3, s2  }
0x8d: {  	s2 =	sadd.s32 s2, s18  }
0x8e: {  	[smem:$0x3FC7] =	sst s2  }
0x8f: {  	_ = 	snop  }
0x90: {  	s2 =	sld [smem:$0x3FC9]  }
0x91: {  	s19 =	sld [smem:$0x3FD0];
	(tm) =	ssettm $0x1  }
0x92: {  	s4 =	sld [smem:$0x3FFB];
	_ =	sdelay $0x3  }
0x93: {  	_ =	strace s4  }
0x94: {  	s4 =	sld [smem:$0x3FFC];
	_ =	sdelay $0x3  }
0x95: {  	_ =	strace s4  }
0x96: {  	s4 =	sld [smem:$0x3FFD];
	_ =	sdelay $0x3  }
0x97: {  	_ =	strace s4  }
0x98: {  	_ =	strace $0x8FFFFFFF  }
0x99: {  	s20 =	sld [smem:$0x3FDB];
	_ =	sdelay $0x1  }
0x9a: {  	s5 =	simm.s32 $_scs_section_size  }
0x9b: {  	s6 =	simm.s32 $_size__tile_overlayer_lowered;
	s7 =	simm.s32 $_tile_overlayer_lowered  }
0x9c: {  	s23 =	simm.s32 $0x1BFF;
	s22 =	sshll.u32 s7, $0x1;
	s4 =	sadd.s32 s5, s20  }
0x9d: {  	s8 =	simm.s32 $0x0;
	s21 =	sshll.u32 s6, $0x1;
	s6 =	sadd.s32 s22, s4  }
0x9e: {  	[timem:s8], [sflag:s23] =	dma.local [hbm:s6], s21  }
0x9f: {  	_ =	swait.ge [sflag:s23], s21  }
0xa0: {  	s5 =	ssub.s32 $0x0, s21;
	[sflag:s23] =	ssyncset.done $0x0  }
0xa1: {  	[sflag:s23] =	ssyncadd.s32 s5;
	_ =	sdelay $0x1  }
0xa2: {  	s24 =	simm.s32 $0x1B8B  }
0xa3: {  	_ =	swait.ge [sflag:s24], $0x1  }
0xa4: {  	[sflag:s24] =	ssyncset.done $0x0  }
0xa5: {  	s25 =	simm.s32 $0x1B8E;
	[sflag:s24] =	ssyncadd.s32 $0xFFFFFFFF  }
0xa6: {  	s26 =	simm.s32 $execute0_lowered;
	[smem:$0x3FD2] =	sst s25  }
0xa7: {  	s5 =	sshll.u32 s26, $0x1;
	_ =	strace $0x80000046;
	[dreg:$0x1] =	wrdreg $0xFFFFFFFF  }
0xa8: {  	s28 =	simm.s32 $_size_execute0_lowered;
	s4 =	sadd.s32 s4, s5;
	[dreg:$0x0] =	wrdreg $0x0  }
0xa9: {  	s5 =	sshll.u32 s28, $0x1;
	[dreg:$0x2] =	wrdreg s4  }
0xaa: {  	[dreg:$0x3] =	wrdreg s5  }
0xab: {  	[dreg:$0x4] =	wrdreg $0xC0  }
0xac: {  	_ =	task [dreg:s8], $0x5FFFF  }
0xad: {  	[dreg:$0x1] =	wrdreg $0xFFFFFFFF  }
0xae: {  	[dreg:$0x0] =	wrdreg $0x60  }
0xaf: {  	[dreg:$0x2] =	wrdreg s2  }
0xb0: {  	[dreg:$0x3] =	wrdreg s19  }
0xb1: {  	[dreg:$0x4] =	wrdreg $0x9  }
0xb2: {  	_ =	task.clear_ibuf [dreg:s8], $0x5FFFF;
	_ =	strace $0x90000046  }
0xb3: {  	s29 =	simm.s32 $0x9;
	_ =	strace $0x80000048  }
0xb4: {  	_ =	swait.ge [sflag:s29], $0x1  }
0xb5: {  	[sflag:s29] =	ssyncadd.s32 $0xFFFFFFFF  }
0xb6: {  	_ =	strace $0x90000048  }
0xb7: {  	_ =	sfence  }
0xb8: {  	s30 =	sld [smem:$0x0];
	_ =	sdelay $0x2  }
0xb9: {  	s31 =	sshll.u32 s1, $0xD;
	s1 =	sshrl.u32 s1, $0x2  }
0xba: {  	s3 =	sand.u32 $0x4000, s31;
	s1 =	sadd.s32 s1, s30  }
0xbb: {  	s0 =	sor.u32 s3, s0;
	s1 =	sshll.u32 s1, $0x11  }
0xbc: {  	s0 =	sor.u32 s1, s0  }
0xbd: {  	s0 =	sadd.s32 $0x8F2B, s0  }
0xbe: {  	[sflag:s0] =	ssyncadd.remote.s32 $0x1  }
0xbf: {  	_ =	sfence.sel $0xFFFF  }
0xc0: {  	[dreg:$0x0] =	wrdreg $0xFFFFFFFF;
	(pc) =	sbr.abs _section_cstart, $3  }
0xc1: {  	[dreg:$0x1] =	wrdreg $0xFFFFFFFF  }
0xc2: {  	_ =	task.clear_ibuf [dreg:s8], $0x2FFFF;
	_ =	strace $0x9FFFFFFF  }
0xc3: {  	(tm) =	ssettm $0x7FFFFFFF  }
tec
execute0_lowered:
.L_overlay_start_1:
0x0: {  	(tag) =	ssettag $0x1  }
0x1: {  	s2 =	rddreg [dreg:$0x0]  }
0x2: {  	s3 =	rddreg [dreg:$0x1]  }
0x3: {  	s4 =	srdreg.scid;
	s0 =	rddreg [dreg:$0x2]  }
0x4: {  	s1 =	stileid.u32;
	s11 =	simm.s32 $0x5;
	s13 =	simm.s32 $0x3080  }
0x5: {  	s14 =	simm.s32 $0x7080;
	s16 =	simm.s32 $0xF080;
	s17 =	simm.s32 $0x2  }
0x6: {  	s18 =	simm.s32 $0x3;
	s19 =	simm.s32 $0x4;
	s20 =	simm.s32 $0x0  }
0x7: {  	s5 =	sand.u32 $0x1, s4;
	s4 =	simm.s32 $0x0;
	s7 =	sshll.u32 s1, $0x1  }
0x8: {  	s6 =	ssub.s32 $0x2, s5;
	[smem:$0x7FF] =	sst s4;
	s5 =	sor.u32 s5, s7  }
.Ltmp0:
0x9: {  	s8 =	sshrl.u32 s6, $0x1;
	_ =	strace $0x80000047;
	(pc) =	sbr.rel .LBB2_1-.Ltmp0, $4  }
0xa: {  	s31 =	sshll.u32 s5, $0x10;
	s12 =	sshll.u32 s5, $0x7;
	s5 =	sshll.u32 s5, $0x13  }
0xb: {  	v2 =	vimm.s32 $0x0;
	s10 =	ssub.s32 s6, s8;
	s6 =	sadd.s32 s3, s31;
	s15 =	sadd.s32 $0x80, s12  }
0xc: {  	v3 =	vlaneseq.u32;
	v4 =	vimm.s32 $0xFFFFFFFF;
	v0 =	vmov s12;
	s12 =	simm.s32 $0x1;
	s7 =	sadd.s32 $0x800, s6;
	s8 =	sadd.s32 $0x1000, s6  }
0xd: {  	v5 =	vimm.s32 $0x1;
	v6 =	vimm.s32 $0xFFFFC000;
	s9 =	sadd.s32 $0x1800, s6;
	s10 =	smax.u32 s10, $0x1;
	v1 =	vmov s15;
	s15 =	simm.s32 $0xB080  }
.LBB2_45:
0xe: {  	_ =	swait.ge [sflag:s12], $0x4000  }
0xf: {  	[sflag:s12] =	ssyncset.done $0x0  }
0x10: {  	[sflag:s12] =	ssyncadd.s32 $0xFFFFC000  }
0x11: {  	_ =	swait.ge [sflag:s17], $0x4000  }
0x12: {  	[sflag:s17] =	ssyncset.done $0x0  }
0x13: {  	s20 =	sadd.s32 $0x1, s20;
	[sflag:s17] =	ssyncadd.s32 $0xFFFFC000  }
0x14: {  	p0 =	sne.s32 s20, s10;
	_ =	swait.ge [sflag:s18], $0x4000  }
.Ltmp1:
0x15: {  	[sflag:s18] =	ssyncset.done $0x0;
	(pc) =	sbr.rel @!p0 .LBB2_46-.Ltmp1, $4  }
0x16: {  	[sflag:s18] =	ssyncadd.s32 $0xFFFFC000  }
0x17: {  	_ =	swait.ge [sflag:s19], $0x4000  }
0x18: {  	[sflag:s19] =	ssyncset.done $0x0  }
0x19: {  	[sflag:s19] =	ssyncadd.s32 $0xFFFFC000  }
.LBB2_1:
0x1a: {  	[tilespmem:s4], [sflag:$0x5] =	stream.linear.gather [hbm4b:s2+s4], $0x2000, $0x38;
	[tilespmem:$0x13080] =	vst v63  }
0x1b: {  	s21 =	simm.s32 $0x0;
	s22 =	simm.s32 $0x200  }
.LBB2_2:
0x1c: {  	p0 =	sne.s32 s22, $0xFE00;
	[tilespmem:s21+$0x30F0] =	vst v2  }
0x1d: {  	[tilespmem:s21+$0x3080] =	vst v2  }
0x1e: {  	[tilespmem:s21+$0x3090] =	vst v2  }
.Ltmp2:
0x1f: {  	[tilespmem:s21+$0x30A0] =	vst v2;
	(pc) =	sbr.rel @p0 .LBB2_2-.Ltmp2, $4  }
0x20: {  	[tilespmem:s21+$0x30B0] =	vst v2  }
0x21: {  	[tilespmem:s21+$0x30C0] =	vst v2  }
0x22: {  	[tilespmem:s21+$0x30D0] =	vst v2  }
0x23: {  	[tilespmem:s21+$0x30E0] =	vst v2;
	s21 =	sshra.s32 s22, $0x2;
	s22 =	sadd.s32 $0x200, s22  }
0x24: {  	[tilespmem:s21+$0x30F0] =	vst v2  }
0x25: {  	[tilespmem:s21+$0x3080] =	vst v2  }
0x26: {  	[tilespmem:s21+$0x3090] =	vst v2  }
0x27: {  	[tilespmem:s21+$0x30A0] =	vst v2  }
0x28: {  	[tilespmem:s21+$0x30B0] =	vst v2  }
0x29: {  	[tilespmem:s21+$0x30C0] =	vst v2  }
0x2a: {  	[tilespmem:s21+$0x30D0] =	vst v2  }
0x2b: {  	[tilespmem:s21+$0x30E0] =	vst v2;
	s21 =	simm.s32 $0x0;
	s22 =	simm.s32 $0x200  }
.LBB2_4:
0x2c: {  	p0 =	sne.s32 s22, $0xFE00;
	[tilespmem:s21+$0x70F0] =	vst v2  }
0x2d: {  	[tilespmem:s21+$0x7080] =	vst v2  }
0x2e: {  	[tilespmem:s21+$0x7090] =	vst v2  }
.Ltmp3:
0x2f: {  	[tilespmem:s21+$0x70A0] =	vst v2;
	(pc) =	sbr.rel @p0 .LBB2_4-.Ltmp3, $4  }
0x30: {  	[tilespmem:s21+$0x70B0] =	vst v2  }
0x31: {  	[tilespmem:s21+$0x70C0] =	vst v2  }
0x32: {  	[tilespmem:s21+$0x70D0] =	vst v2  }
0x33: {  	[tilespmem:s21+$0x70E0] =	vst v2;
	s21 =	sshra.s32 s22, $0x2;
	s22 =	sadd.s32 $0x200, s22  }
0x34: {  	[tilespmem:s21+$0x70F0] =	vst v2  }
0x35: {  	[tilespmem:s21+$0x7080] =	vst v2  }
0x36: {  	[tilespmem:s21+$0x7090] =	vst v2  }
0x37: {  	[tilespmem:s21+$0x70A0] =	vst v2  }
0x38: {  	[tilespmem:s21+$0x70B0] =	vst v2  }
0x39: {  	[tilespmem:s21+$0x70C0] =	vst v2  }
0x3a: {  	[tilespmem:s21+$0x70D0] =	vst v2;
	s22 =	simm.s32 $0x0  }
0x3b: {  	[tilespmem:s21+$0x70E0] =	vst v2;
	s29 =	sand.u32 $0x1F80, s22  }
0x3c: {  	_ =	swait.ge [sflag:s11], $0x2000;
	s21 =	sadd.s32 $0x0, s29  }
0x3d: {  	s23 =	sand.u32 $0x60, s22;
	[sflag:s11] =	ssyncset.done $0x0;
	s21 =	sand.u32 $0x1F80, s21  }
0x3e: {  	[sflag:s11] =	ssyncadd.s32 $0xFFFFE000;
	s24 =	sor.u32 s23, s21;
	s25 =	sadd.s32 $0x80, s21  }
0x3f: {  	v7 =	vld [tilespmem:s24+$0x0];
	s23 =	sor.u32 s23, s25  }
0x40: {  	v8 =	vld [tilespmem:s23+$0x0];
	_ =	sdelay $0x3  }
0x41: {  	v7 =	vshll.u32 v7, $0x6  }
0x42: {  	v7 =	vadd.s32 v8, v7  }
0x43: {  	vm0 =	vge.s32 v7, v0;
	vm1 =	vlt.s32 v7, v1;
	v7 =	vsub.s32 v7, v0  }
0x44: {  	vm0 =	vmand vm0, vm1;
	v7 =	vshll.u32 v7, $0xC  }
0x45: {  	s30 =	simm.s32 $0x10;
	v7 =	vadd.s32 s22, v7;
	v8 =	vmpcnt.ones.xlane vm0  }
0x46: {  	s31 =	sand.u32 $0x70, s30;
	v7 =	vadd.s32 v3, v7  }
0x47: {  	s21 =	sor.u32 s31, s21;
	[tilespmem:s22+$0x2000] =	vst.msk vm0, v7;
	(v2sf) =	vpush v8, $0x0  }
0x48: {  	s24 =	sor.u32 s31, s25;
	v7 =	vld [tilespmem:s21+$0x0]  }
0x49: {  	v8 =	vld [tilespmem:s24+$0x0];
	_ =	sdelay $0x3  }
0x4a: {  	v7 =	vshll.u32 v7, $0x6  }
0x4b: {  	v7 =	vadd.s32 v8, v7  }
0x4c: {  	vm0 =	vge.s32 v7, v0;
	vm1 =	vlt.s32 v7, v1  }
0x4d: {  	vm0 =	vmand vm0, vm1  }
0x4e: {  	v8 =	vmpcnt.ones.xlane vm0;
	_ =	sdelay $0x1  }
0x4f: {  	(v2sf) =	vpush v8, $0x0  }
0x50: {  	s21 =	simm.s32 $0x20;
	v7 =	vsub.s32 v7, v0  }
0x51: {  	s25 =	sand.u32 $0x1F80, s21;
	v7 =	vshll.u32 v7, $0xC  }
0x52: {  	s22 =	sadd.s32 $0x20, s25;
	v7 =	vadd.s32 s30, v7;
	s26 =	spop (v2sf)  }
0x53: {  	s29 =	sand.u32 $0x60, s21;
	s22 =	sand.u32 $0x1F80, s22;
	v7 =	vadd.s32 v3, v7;
	s26 =	sadd.s32 $0x0, s26  }
0x54: {  	s25 =	sadd.s32 $0x80, s22;
	s30 =	sor.u32 s29, s22;
	[tilespmem:s26+$0x2000] =	vst.msk vm0, v7  }
0x55: {  	s31 =	sor.u32 s29, s25;
	v7 =	vld [tilespmem:s30+$0x0]  }
0x56: {  	v8 =	vld [tilespmem:s31+$0x0];
	_ =	sdelay $0x3  }
0x57: {  	v7 =	vshll.u32 v7, $0x6  }
0x58: {  	v7 =	vadd.s32 v8, v7  }
0x59: {  	vm0 =	vge.s32 v7, v0;
	vm1 =	vlt.s32 v7, v1;
	v7 =	vsub.s32 v7, v0  }
0x5a: {  	vm0 =	vmand vm0, vm1;
	v7 =	vshll.u32 v7, $0xC  }
0x5b: {  	s28 =	simm.s32 $0x40;
	v8 =	vadd.s32 s21, v7;
	v7 =	vmpcnt.ones.xlane vm0;
	s21 =	simm.s32 $0x30;
	s24 =	spop (v2sf)  }
.LBB2_6:
0x5c: {  	s29 =	sand.u32 $0x70, s21  }
0x5d: {  	v8 =	vadd.s32 v3, v8;
	s26 =	sadd.s32 s26, s24;
	s24 =	smov.u32 s28;
	s23 =	sadd.s32 $0x20, s28  }
0x5e: {  	p0 =	sne.s32 s28, $0xFE0;
	[tilespmem:s26+$0x2000] =	vst.msk vm0, v8;
	s22 =	sor.u32 s29, s22;
	(v2sf) =	vpush v7, $0x0  }
0x5f: {  	v7 =	vld [tilespmem:s22+$0x0];
	s22 =	sor.u32 s29, s25  }
0x60: {  	v8 =	vld [tilespmem:s22+$0x0];
	_ =	sdelay $0x3  }
0x61: {  	v7 =	vshll.u32 v7, $0x6  }
0x62: {  	v7 =	vadd.s32 v8, v7  }
0x63: {  	vm0 =	vge.s32 v7, v0;
	vm1 =	vlt.s32 v7, v1;
	v7 =	vsub.s32 v7, v0  }
0x64: {  	vm0 =	vmand vm0, vm1;
	v7 =	vshll.u32 v7, $0xC  }
0x65: {  	v7 =	vadd.s32 s21, v7;
	v8 =	vmpcnt.ones.xlane vm0;
	_ =	sdelay $0x1  }
0x66: {  	(v2sf) =	vpush v8, $0x0;
	_ =	sdelay $0x1  }
0x67: {  	s21 =	sand.u32 $0x1F80, s24  }
0x68: {  	s21 =	sadd.s32 s21, s24;
	s25 =	spop (v2sf)  }
0x69: {  	v7 =	vadd.s32 v3, v7;
	s22 =	sand.u32 $0x1F80, s21;
	s21 =	sand.u32 $0x60, s24;
	s26 =	sadd.s32 s26, s25  }
0x6a: {  	s28 =	sor.u32 s21, s22;
	s25 =	sadd.s32 $0x80, s22;
	[tilespmem:s26+$0x2000] =	vst.msk vm0, v7  }
0x6b: {  	s21 =	sor.u32 s21, s25;
	v7 =	vld [tilespmem:s28+$0x0]  }
0x6c: {  	v8 =	vld [tilespmem:s21+$0x0];
	_ =	sdelay $0x3  }
.Ltmp4:
0x6d: {  	v7 =	vshll.u32 v7, $0x6;
	(pc) =	sbr.rel @p0 .LBB2_6-.Ltmp4, $4  }
0x6e: {  	v7 =	vadd.s32 v8, v7  }
0x6f: {  	vm0 =	vge.s32 v7, v0;
	vm1 =	vlt.s32 v7, v1;
	v7 =	vsub.s32 v7, v0  }
0x70: {  	vm0 =	vmand vm0, vm1;
	v7 =	vshll.u32 v7, $0xC  }
0x71: {  	s28 =	smov.u32 s23;
	s21 =	sadd.s32 $0x10, s24;
	v8 =	vadd.s32 s24, v7;
	v7 =	vmpcnt.ones.xlane vm0;
	s24 =	spop (v2sf)  }
0x72: {  	v8 =	vadd.s32 v3, v8;
	s23 =	sand.u32 $0x70, s21;
	s24 =	sadd.s32 s26, s24  }
0x73: {  	[tilespmem:s24+$0x2000] =	vst.msk vm0, v8;
	s22 =	sor.u32 s23, s22  }
0x74: {  	s28 =	sor.u32 s23, s25;
	v8 =	vld [tilespmem:s22+$0x0]  }
0x75: {  	v9 =	vld [tilespmem:s28+$0x0];
	_ =	sdelay $0x3  }
0x76: {  	v8 =	vshll.u32 v8, $0x6  }
0x77: {  	v8 =	vadd.s32 v9, v8  }
0x78: {  	vm15 =	vge.s32 v8, v0;
	vm1 =	vlt.s32 v8, v1  }
0x79: {  	vm0 =	vmand vm15, vm1  }
0x7a: {  	v63 =	vmpcnt.ones.xlane vm0  }
0x7b: {  	(v2sf) =	vpush v7, $0x0  }
0x7c: {  	(v2sf) =	vpush v63, $0x0;
	_ =	sdelay $0xd  }
0x7d: {  	s29 =	spop (v2sf)  }
0x7e: {  	s22 =	sadd.s32 s24, s29;
	s30 =	spop (v2sf)  }
0x7f: {  	s23 =	sadd.s32 s22, s30  }
0x80: {  	s31 =	sadd.s32 $0xF, s23  }
0x81: {  	s28 =	sand.u32 $0xF, s31  }
0x82: {  	s29 =	sshra.s32 s31, $0x1F;
	p0 =	slt.s32 s31, $0x1;
	p1 =	sne.s32 s28, $0x0  }
0x83: {  	s30 =	sshrl.u32 s29, $0x1C;
	p0 =	por !p0, !p1  }
0x84: {  	s25 =	simm.s32 $0x1;
	v7 =	vsub.s32 v8, v0;
	s24 =	sadd.s32 s30, s31;
	p0 =	por !p0, !p0  }
0x85: {  	v7 =	vshll.u32 v7, $0xC;
	s31 =	sshra.s32 s24, $0x4;
	s25 =	simm.s32 @!p0 $0x0  }
0x86: {  	v7 =	vadd.s32 s21, v7;
	s21 =	ssub.s32 s31, s25  }
0x87: {  	p0 =	slt.s32 s21, $0x1  }
.Ltmp5:
0x88: {  	_ = 	snop;
	(pc) =	sbr.rel @p0 .LBB2_13-.Ltmp5, $4  }
0x89: {  	_ = 	snop  }
0x8a: {  	v7 =	vadd.s32 v3, v7  }
0x8b: {  	[tilespmem:s22+$0x2000] =	vst.msk vm0, v7  }
0x8c: {  	s22 =	simm.s32 $0x2000;
	[tilespmem:s23+$0x2000] =	vst v4  }
0x8d: {  	v7 =	vld [tilespmem:s22+$0x0];
	_ =	sdelay $0x4  }
0x8e: {  	v8 =	vand.u32 $0xFFFFC000, v7  }
0x8f: {  	vm1 =	veq.s32 v8, $0xFFFF0000;
	v8 =	vadd.s32 $0x10000, v7  }
0x90: {  	p1 =	sne.s32 s21, $0x1;
	vm0 =	vlt.u32 v7, $0x4000;
	v8 =	vnsel vm1, $0x0, v8  }
.Ltmp6:
0x91: {  	v7 =	vnsel vm0, $0x0, v7;
	(pc) =	sbr.rel @!p1 .LBB2_10-.Ltmp6, $2  }
0x92: {  	_ =	sdelay $0x2  }
0x93: {  	s23 =	sadd.s32 $0xFFFFFFFF, s21;
	[tilespmem:v8+s13+$0x0] =	vst.idx.msk vm1, v2  }
.LBB2_9:
0x94: {  	p1 =	sne.s32 s23, $0x1;
	s23 =	sadd.s32 $0xFFFFFFFF, s23;
	[tilespmem:v7+s13+$0x0] =	vst.idx.msk vm0, v5;
	s22 =	sadd.s32 $0x10, s22  }
0x95: {  	v7 =	vld [tilespmem:s22+$0x0];
	_ =	sdelay $0x4  }
0x96: {  	v8 =	vand.u32 $0xFFFFC000, v7  }
0x97: {  	vm1 =	veq.s32 v8, $0xFFFF0000;
	v8 =	vadd.s32 $0x10000, v7  }
0x98: {  	vm0 =	vlt.u32 v7, $0x4000;
	v8 =	vnsel vm1, $0x0, v8  }
.Ltmp7:
0x99: {  	v7 =	vnsel vm0, $0x0, v7;
	(pc) =	sbr.rel @p1 .LBB2_9-.Ltmp7, $2  }
0x9a: {  	_ =	sdelay $0x2  }
0x9b: {  	[tilespmem:v8+s13+$0x0] =	vst.idx.msk vm1, v2  }
.LBB2_10:
0x9c: {  	_ =	sdelay $0x2  }
0x9d: {  	p1 =	seq.s32 s21, $0x1  }
.Ltmp8:
0x9e: {  	_ = 	snop;
	(pc) =	sbr.rel @p1 .LBB2_12-.Ltmp8, $4  }
0x9f: {  	[tilespmem:v7+s13+$0x0] =	vst.idx.msk vm0, v5;
	s22 =	simm.s32 $0x2000  }
0xa0: {  	[hbm4b:s6+s4] =	stream.linear.scatter [tilespmem:s13], [sflag:$0x1], $0x4000, $0x38;
	[tilespmem:$0x13080] =	vst v63  }
0xa1: {  	v7 =	vld [tilespmem:s22+$0x0]  }
0xa2: {  	s23 =	sadd.s32 $0xFFFFFFFF, s21  }
.LBB2_11:
0xa3: {  	p1 =	seq.s32 s23, $0x1;
	_ =	sdelay $0x2  }
0xa4: {  	v8 =	vand.u32 $0xFFFFC000, v7;
	v9 =	vadd.s32 $0xFFFFC000, v7  }
0xa5: {  	v7 =	vadd.s32 $0xC000, v7;
	vm0 =	veq.s32 v8, $0xFFFF4000;
	vm1 =	veq.s32 v8, $0x4000  }
0xa6: {  	v7 =	vnsel vm0, $0x0, v7  }
0xa7: {  	v8 =	vnsel vm1, $0x0, v9;
	_ =	sdelay $0x2  }
.Ltmp9:
0xa8: {  	(pc) =	sbr.rel @!p1 .LBB2_11-.Ltmp9, $4  }
0xa9: {  	[tilespmem:v7+s14+$0x0] =	vst.idx.msk vm0, v2  }
0xaa: {  	s22 =	sadd.s32 $0x10, s22;
	[tilespmem:v8+s14+$0x0] =	vst.idx.msk vm1, v5  }
0xab: {  	v7 =	vld [tilespmem:s22+$0x0]  }
0xac: {  	s23 =	sadd.s32 $0xFFFFFFFF, s23  }
.LBB2_12:
0xad: {  	_ =	sdelay $0x2  }
0xae: {  	v8 =	vand.u32 $0xFFFFC000, v7  }
0xaf: {  	v9 =	vadd.s32 $0xC000, v7;
	vm0 =	veq.s32 v8, $0xFFFF4000  }
0xb0: {  	v7 =	vadd.s32 $0xFFFFC000, v7;
	vm1 =	veq.s32 v8, $0x4000;
	v8 =	vnsel vm0, $0x0, v9  }
0xb1: {  	v7 =	vnsel vm1, $0x0, v7  }
.Ltmp10:
0xb2: {  	_ = 	snop;
	(pc) =	sbr.rel .LBB2_14-.Ltmp10, $3  }
0xb3: {  	_ =	sdelay $0x1  }
0xb4: {  	[tilespmem:v8+s14+$0x0] =	vst.idx.msk vm0, v2  }
0xb5: {  	[tilespmem:v7+s14+$0x0] =	vst.idx.msk vm1, v5  }
.LBB2_13:
0xb6: {  	[hbm4b:s6+s4] =	stream.linear.scatter [tilespmem:s13], [sflag:$0x1], $0x4000, $0x38;
	[tilespmem:$0x13080] =	vst v63  }
.LBB2_14:
0xb7: {  	s22 =	simm.s32 $0x0  }
0xb8: {  	[hbm4b:s7+s22] =	stream.linear.scatter [tilespmem:s14], [sflag:$0x2], $0x4000, $0x38;
	[tilespmem:$0x13080] =	vst v63  }
0xb9: {  	s23 =	simm.s32 $0x200;
	s22 =	simm.s32 $0x0  }
.LBB2_15:
0xba: {  	p1 =	seq.s32 s23, $0xFE00;
	[tilespmem:s22+$0xB0F0] =	vst v2  }
0xbb: {  	[tilespmem:s22+$0xB080] =	vst v2  }
0xbc: {  	[tilespmem:s22+$0xB090] =	vst v2  }
.Ltmp11:
0xbd: {  	[tilespmem:s22+$0xB0A0] =	vst v2;
	(pc) =	sbr.rel @!p1 .LBB2_15-.Ltmp11, $4  }
0xbe: {  	[tilespmem:s22+$0xB0B0] =	vst v2  }
0xbf: {  	[tilespmem:s22+$0xB0C0] =	vst v2  }
0xc0: {  	[tilespmem:s22+$0xB0D0] =	vst v2  }
0xc1: {  	[tilespmem:s22+$0xB0E0] =	vst v2;
	s22 =	sshra.s32 s23, $0x2;
	s23 =	sadd.s32 $0x200, s23  }
0xc2: {  	[tilespmem:s22+$0xB0F0] =	vst v2  }
0xc3: {  	[tilespmem:s22+$0xB080] =	vst v2  }
0xc4: {  	[tilespmem:s22+$0xB090] =	vst v2;
	p1 =	sgt.s32 s21, $0x0  }
.Ltmp12:
0xc5: {  	[tilespmem:s22+$0xB0A0] =	vst v2;
	(pc) =	sbr.rel @!p1 .LBB2_20-.Ltmp12, $4  }
0xc6: {  	[tilespmem:s22+$0xB0B0] =	vst v2  }
0xc7: {  	[tilespmem:s22+$0xB0C0] =	vst v2  }
0xc8: {  	[tilespmem:s22+$0xB0D0] =	vst v2  }
0xc9: {  	[tilespmem:s22+$0xB0E0] =	vst v2;
	s22 =	simm.s32 $0x2000  }
0xca: {  	p2 =	sne.s32 s21, $0x1  }
.Ltmp13:
0xcb: {  	_ = 	snop;
	(pc) =	sbr.rel @!p2 .LBB2_19-.Ltmp13, $3  }
0xcc: {  	_ =	sdelay $0x1  }
0xcd: {  	v7 =	vld [tilespmem:s22+$0x0]  }
0xce: {  	s23 =	sadd.s32 $0xFFFFFFFF, s21  }
.LBB2_18:
0xcf: {  	p2 =	sne.s32 s23, $0x1;
	_ =	sdelay $0x2  }
0xd0: {  	v8 =	vand.u32 $0xFFFFC000, v7;
	v9 =	vadd.s32 $0xFFFF8000, v7  }
0xd1: {  	v7 =	vadd.s32 $0x8000, v7;
	vm0 =	veq.s32 v8, $0xFFFF8000;
	vm1 =	veq.s32 v8, $0x8000  }
0xd2: {  	v7 =	vnsel vm0, $0x0, v7  }
0xd3: {  	v8 =	vnsel vm1, $0x0, v9;
	_ =	sdelay $0x2  }
.Ltmp14:
0xd4: {  	(pc) =	sbr.rel @p2 .LBB2_18-.Ltmp14, $4  }
0xd5: {  	[tilespmem:v7+s15+$0x0] =	vst.idx.msk vm0, v2  }
0xd6: {  	s22 =	sadd.s32 $0x10, s22;
	[tilespmem:v8+s15+$0x0] =	vst.idx.msk vm1, v5  }
0xd7: {  	v7 =	vld [tilespmem:s22+$0x0]  }
0xd8: {  	s23 =	sadd.s32 $0xFFFFFFFF, s23  }
.LBB2_19:
0xd9: {  	_ =	sdelay $0x2  }
0xda: {  	v8 =	vand.u32 $0xFFFFC000, v7  }
0xdb: {  	v9 =	vadd.s32 $0x8000, v7;
	vm0 =	veq.s32 v8, $0xFFFF8000  }
0xdc: {  	v7 =	vadd.s32 $0xFFFF8000, v7;
	vm1 =	veq.s32 v8, $0x8000;
	v8 =	vnsel vm0, $0x0, v9  }
0xdd: {  	v7 =	vnsel vm1, $0x0, v7;
	_ =	sdelay $0x3  }
0xde: {  	[tilespmem:v8+s15+$0x0] =	vst.idx.msk vm0, v2  }
0xdf: {  	[tilespmem:v7+s15+$0x0] =	vst.idx.msk vm1, v5  }
.LBB2_20:
0xe0: {  	s22 =	simm.s32 $0x0  }
0xe1: {  	[hbm4b:s8+s22] =	stream.linear.scatter [tilespmem:s15], [sflag:$0x3], $0x4000, $0x38;
	[tilespmem:$0x13080] =	vst v63  }
0xe2: {  	s23 =	simm.s32 $0x200;
	s22 =	simm.s32 $0x0  }
.LBB2_21:
0xe3: {  	p2 =	seq.s32 s23, $0xFE00;
	[tilespmem:s22+$0xF0F0] =	vst v2  }
0xe4: {  	[tilespmem:s22+$0xF080] =	vst v2  }
0xe5: {  	[tilespmem:s22+$0xF090] =	vst v2  }
.Ltmp15:
0xe6: {  	[tilespmem:s22+$0xF0A0] =	vst v2;
	(pc) =	sbr.rel @!p2 .LBB2_21-.Ltmp15, $4  }
0xe7: {  	[tilespmem:s22+$0xF0B0] =	vst v2  }
0xe8: {  	[tilespmem:s22+$0xF0C0] =	vst v2  }
0xe9: {  	[tilespmem:s22+$0xF0D0] =	vst v2  }
0xea: {  	[tilespmem:s22+$0xF0E0] =	vst v2;
	s22 =	sshra.s32 s23, $0x2;
	s23 =	sadd.s32 $0x200, s23  }
0xeb: {  	[tilespmem:s22+$0xF0F0] =	vst v2  }
0xec: {  	[tilespmem:s22+$0xF080] =	vst v2  }
0xed: {  	[tilespmem:s22+$0xF090] =	vst v2  }
.Ltmp16:
0xee: {  	[tilespmem:s22+$0xF0A0] =	vst v2;
	(pc) =	sbr.rel @!p1 .LBB2_26-.Ltmp16, $4  }
0xef: {  	[tilespmem:s22+$0xF0B0] =	vst v2  }
0xf0: {  	[tilespmem:s22+$0xF0C0] =	vst v2  }
0xf1: {  	[tilespmem:s22+$0xF0D0] =	vst v2  }
0xf2: {  	[tilespmem:s22+$0xF0E0] =	vst v2;
	s22 =	simm.s32 $0x2000  }
0xf3: {  	v7 =	vld [tilespmem:s22+$0x0];
	_ =	sdelay $0x4  }
0xf4: {  	vm1 =	vgt.u32 v7, $0xFFFFBFFF;
	v8 =	vmax.u32 v7, $0xFFFFC000;
	v9 =	vand.u32 $0xFFFFC000, v7  }
0xf5: {  	p2 =	sne.s32 s21, $0x1;
	v7 =	vadd.s32 $0xFFFF4000, v7;
	v8 =	vsub.s32 v8, v6;
	vm0 =	veq.s32 v9, $0xC000  }
.Ltmp17:
0xf6: {  	v7 =	vnsel vm0, $0x0, v7;
	(pc) =	sbr.rel @!p2 .LBB2_25-.Ltmp17, $2  }
0xf7: {  	_ =	sdelay $0x2  }
0xf8: {  	s23 =	sadd.s32 $0xFFFFFFFF, s21;
	[tilespmem:v8+s16+$0x0] =	vst.idx.msk vm1, v2  }
.LBB2_24:
0xf9: {  	p2 =	sne.s32 s23, $0x1;
	s23 =	sadd.s32 $0xFFFFFFFF, s23;
	[tilespmem:v7+s16+$0x0] =	vst.idx.msk vm0, v5;
	s22 =	sadd.s32 $0x10, s22  }
0xfa: {  	v7 =	vld [tilespmem:s22+$0x0];
	_ =	sdelay $0x4  }
0xfb: {  	vm1 =	vgt.u32 v7, $0xFFFFBFFF;
	v8 =	vmax.u32 v7, $0xFFFFC000;
	v9 =	vand.u32 $0xFFFFC000, v7  }
0xfc: {  	v7 =	vadd.s32 $0xFFFF4000, v7;
	v8 =	vsub.s32 v8, v6;
	vm0 =	veq.s32 v9, $0xC000  }
.Ltmp18:
0xfd: {  	v7 =	vnsel vm0, $0x0, v7;
	(pc) =	sbr.rel @p2 .LBB2_24-.Ltmp18, $2  }
0xfe: {  	_ =	sdelay $0x2  }
0xff: {  	[tilespmem:v8+s16+$0x0] =	vst.idx.msk vm1, v2  }
.LBB2_25:
0x100: {  	_ =	sdelay $0x4  }
0x101: {  	[tilespmem:v7+s16+$0x0] =	vst.idx.msk vm0, v5  }
.LBB2_26:
.Ltmp19:
0x102: {  	(pc) =	sbr.rel .LBB2_27-.Ltmp19, $3  }
0x103: {  	_ =	sdelay $0x1  }
0x104: {  	[hbm4b:s9+s4] =	stream.linear.scatter [tilespmem:s16], [sflag:$0x4], $0x4000, $0x38;
	[tilespmem:$0x13080] =	vst v63  }
0x105: {  	s22 =	simm.s32 $0x1  }
.LBB2_43:
0x106: {  	vm0 =	vge.s32 v11, v8;
	vm1 =	vlt.s32 v11, v7;
	vm2 =	vlt.s32 v11, v10  }
0x107: {  	v7 =	vsub.s32 v11, v8;
	vm15 =	vge.s32 v11, v9;
	vm0 =	vmand vm0, vm1  }
0x108: {  	v8 =	vsub.s32 v11, v9;
	vm1 =	vmand vm15, vm2;
	v7 =	vnsel vm0, $0x0, v7  }
0x109: {  	v8 =	vnsel vm1, $0x0, v8;
	_ =	sdelay $0x3  }
0x10a: {  	[tilespmem:v7+s16+$0x0] =	vst.idx.msk vm0, v2  }
0x10b: {  	[tilespmem:v8+s16+$0x0] =	vst.idx.msk vm1, v5  }
.LBB2_44:
0x10c: {  	s22 =	sadd.s32 $0x1, s22  }
0x10d: {  	p2 =	sne.s32 s22, $0x8  }
.Ltmp20:
0x10e: {  	_ = 	snop;
	(pc) =	sbr.rel @!p2 .LBB2_45-.Ltmp20, $4  }
0x10f: {  	s23 =	sor.u32 s5, s25  }
0x110: {  	s23 =	sshrl.u32 s23, $0x3  }
0x111: {  	s23 =	sadd.s32 s3, s23  }
0x112: {  	[hbm4b:s23+s4] =	stream.linear.scatter [tilespmem:s16], [sflag:$0x4], $0x4000, $0x38;
	[tilespmem:$0x13080] =	vst v63  }
.LBB2_27:
.Ltmp21:
0x113: {  	(pc) =	sbr.rel @!p1 .LBB2_28-.Ltmp21, $4  }
0x114: {  	_ = 	snop  }
0x115: {  	s23 =	sshll.u32 s22, $0x10;
	_ =	swait.ge [sflag:s12], $0x4000  }
0x116: {  	[sflag:s12] =	ssyncset.done $0x0;
	s24 =	sadd.s32 $0xFFFF4000, s23  }
0x117: {  	v7 =	vmov s23;
	[sflag:s12] =	ssyncadd.s32 $0xFFFFC000;
	v8 =	vmov s24  }
0x118: {  	p2 =	sne.s32 s21, $0x1  }
.Ltmp22:
0x119: {  	_ = 	snop;
	(pc) =	sbr.rel @!p2 .LBB2_31-.Ltmp22, $4  }
0x11a: {  	_ = 	snop  }
0x11b: {  	s24 =	simm.s32 $0x2000  }
0x11c: {  	s26 =	sadd.s32 $0xFFFF0000, s23;
	s25 =	sor.u32 $0x4000, s23;
	v11 =	vld [tilespmem:s24+$0x0]  }
0x11d: {  	v9 =	vmov s26;
	v10 =	vmov s25;
	s26 =	sadd.s32 $0xFFFFFFFF, s21  }
.LBB2_30:
0x11e: {  	p2 =	sne.s32 s26, $0x1;
	_ =	sdelay $0x2  }
0x11f: {  	vm0 =	vge.s32 v11, v9;
	vm1 =	vlt.s32 v11, v8;
	vm2 =	vlt.s32 v11, v10  }
0x120: {  	v12 =	vsub.s32 v11, v9;
	vm0 =	vmand vm0, vm1;
	vm1 =	vge.s32 v11, v7  }
0x121: {  	v11 =	vsub.s32 v11, v7;
	v12 =	vnsel vm0, $0x0, v12;
	vm1 =	vmand vm1, vm2  }
0x122: {  	v11 =	vnsel vm1, $0x0, v11;
	_ =	sdelay $0x2  }
.Ltmp23:
0x123: {  	(pc) =	sbr.rel @p2 .LBB2_30-.Ltmp23, $4  }
0x124: {  	[tilespmem:v12+s13+$0x0] =	vst.idx.msk vm0, v2  }
0x125: {  	s24 =	sadd.s32 $0x10, s24;
	[tilespmem:v11+s13+$0x0] =	vst.idx.msk vm1, v5  }
0x126: {  	v11 =	vld [tilespmem:s24+$0x0]  }
0x127: {  	s26 =	sadd.s32 $0xFFFFFFFF, s26  }
.LBB2_31:
0x128: {  	_ =	sdelay $0x2  }
0x129: {  	vm0 =	vge.s32 v11, v9;
	vm1 =	vlt.s32 v11, v8;
	vm2 =	vlt.s32 v11, v10  }
0x12a: {  	v9 =	vsub.s32 v11, v9;
	vm15 =	vge.s32 v11, v7;
	vm0 =	vmand vm0, vm1  }
0x12b: {  	v10 =	vsub.s32 v11, v7;
	vm1 =	vmand vm15, vm2;
	v9 =	vnsel vm0, $0x0, v9  }
0x12c: {  	v10 =	vnsel vm1, $0x0, v10  }
.Ltmp24:
0x12d: {  	_ = 	snop;
	(pc) =	sbr.rel .LBB2_32-.Ltmp24, $3  }
0x12e: {  	_ =	sdelay $0x1  }
0x12f: {  	[tilespmem:v9+s13+$0x0] =	vst.idx.msk vm0, v2  }
0x130: {  	[tilespmem:v10+s13+$0x0] =	vst.idx.msk vm1, v5  }
.LBB2_28:
0x131: {  	s25 =	sor.u32 $0x4000, s23  }
.LBB2_32:
0x132: {  	s24 =	sor.u32 s5, s23  }
0x133: {  	s24 =	sshrl.u32 s24, $0x3  }
.Ltmp25:
0x134: {  	s24 =	sadd.s32 s3, s24;
	(pc) =	sbr.rel @!p1 .LBB2_36-.Ltmp25, $4  }
0x135: {  	[hbm4b:s24+s4] =	stream.linear.scatter [tilespmem:s13], [sflag:$0x1], $0x4000, $0x38;
	[tilespmem:$0x13080] =	vst v63  }
0x136: {  	_ =	swait.ge [sflag:s17], $0x4000  }
0x137: {  	s31 =	sadd.s32 $0xFFFF8000, s23;
	[sflag:s17] =	ssyncset.done $0x0  }
0x138: {  	v9 =	vmov s31;
	s24 =	sor.u32 $0x8000, s23;
	[sflag:s17] =	ssyncadd.s32 $0xFFFFC000  }
0x139: {  	p2 =	sne.s32 s21, $0x1  }
.Ltmp26:
0x13a: {  	_ = 	snop;
	(pc) =	sbr.rel @!p2 .LBB2_35-.Ltmp26, $4  }
0x13b: {  	_ = 	snop  }
0x13c: {  	s26 =	simm.s32 $0x2000  }
0x13d: {  	s24 =	sor.u32 $0x8000, s23;
	v12 =	vld [tilespmem:s26+$0x0]  }
0x13e: {  	v10 =	vmov s25;
	s28 =	sadd.s32 $0xFFFFFFFF, s21;
	v11 =	vmov s24  }
.LBB2_34:
0x13f: {  	p2 =	sne.s32 s28, $0x1;
	_ =	sdelay $0x2  }
0x140: {  	vm0 =	vge.s32 v12, v8;
	vm1 =	vlt.s32 v12, v9;
	vm2 =	vlt.s32 v12, v11  }
0x141: {  	v13 =	vsub.s32 v12, v8;
	vm0 =	vmand vm0, vm1;
	vm1 =	vge.s32 v12, v10  }
0x142: {  	v12 =	vsub.s32 v12, v10;
	v13 =	vnsel vm0, $0x0, v13;
	vm1 =	vmand vm1, vm2  }
0x143: {  	v12 =	vnsel vm1, $0x0, v12;
	_ =	sdelay $0x2  }
.Ltmp27:
0x144: {  	(pc) =	sbr.rel @p2 .LBB2_34-.Ltmp27, $4  }
0x145: {  	[tilespmem:v13+s14+$0x0] =	vst.idx.msk vm0, v2  }
0x146: {  	s26 =	sadd.s32 $0x10, s26;
	[tilespmem:v12+s14+$0x0] =	vst.idx.msk vm1, v5  }
0x147: {  	v12 =	vld [tilespmem:s26+$0x0]  }
0x148: {  	s28 =	sadd.s32 $0xFFFFFFFF, s28  }
.LBB2_35:
0x149: {  	_ =	sdelay $0x2  }
0x14a: {  	vm0 =	vge.s32 v12, v8;
	vm1 =	vlt.s32 v12, v9;
	vm2 =	vlt.s32 v12, v11  }
0x14b: {  	v8 =	vsub.s32 v12, v8;
	vm15 =	vge.s32 v12, v10;
	vm0 =	vmand vm0, vm1  }
0x14c: {  	v10 =	vsub.s32 v12, v10;
	vm1 =	vmand vm15, vm2;
	v8 =	vnsel vm0, $0x0, v8  }
0x14d: {  	v10 =	vnsel vm1, $0x0, v10;
	_ =	sdelay $0x3  }
0x14e: {  	[tilespmem:v8+s14+$0x0] =	vst.idx.msk vm0, v2  }
0x14f: {  	[tilespmem:v10+s14+$0x0] =	vst.idx.msk vm1, v5  }
.LBB2_36:
0x150: {  	s25 =	sor.u32 s5, s25  }
0x151: {  	s25 =	sshrl.u32 s25, $0x3  }
.Ltmp28:
0x152: {  	s25 =	sadd.s32 s3, s25;
	(pc) =	sbr.rel @!p1 .LBB2_40-.Ltmp28, $4  }
0x153: {  	[hbm4b:s25+s4] =	stream.linear.scatter [tilespmem:s14], [sflag:$0x2], $0x4000, $0x38;
	[tilespmem:$0x13080] =	vst v63  }
0x154: {  	_ =	swait.ge [sflag:s18], $0x4000  }
0x155: {  	s31 =	sadd.s32 $0xFFFFC000, s23;
	[sflag:s18] =	ssyncset.done $0x0  }
0x156: {  	v8 =	vmov s31;
	s25 =	sor.u32 $0xC000, s23;
	[sflag:s18] =	ssyncadd.s32 $0xFFFFC000  }
0x157: {  	p2 =	sne.s32 s21, $0x1  }
.Ltmp29:
0x158: {  	_ = 	snop;
	(pc) =	sbr.rel @!p2 .LBB2_39-.Ltmp29, $4  }
0x159: {  	_ = 	snop  }
0x15a: {  	s26 =	simm.s32 $0x2000  }
0x15b: {  	s25 =	sor.u32 $0xC000, s23;
	v12 =	vld [tilespmem:s26+$0x0]  }
0x15c: {  	v10 =	vmov s24;
	s28 =	sadd.s32 $0xFFFFFFFF, s21;
	v11 =	vmov s25  }
.LBB2_38:
0x15d: {  	p2 =	sne.s32 s28, $0x1;
	_ =	sdelay $0x2  }
0x15e: {  	vm0 =	vge.s32 v12, v9;
	vm1 =	vlt.s32 v12, v8;
	vm2 =	vlt.s32 v12, v11  }
0x15f: {  	v13 =	vsub.s32 v12, v9;
	vm0 =	vmand vm0, vm1;
	vm1 =	vge.s32 v12, v10  }
0x160: {  	v12 =	vsub.s32 v12, v10;
	v13 =	vnsel vm0, $0x0, v13;
	vm1 =	vmand vm1, vm2  }
0x161: {  	v12 =	vnsel vm1, $0x0, v12;
	_ =	sdelay $0x2  }
.Ltmp30:
0x162: {  	(pc) =	sbr.rel @p2 .LBB2_38-.Ltmp30, $4  }
0x163: {  	[tilespmem:v13+s15+$0x0] =	vst.idx.msk vm0, v2  }
0x164: {  	s26 =	sadd.s32 $0x10, s26;
	[tilespmem:v12+s15+$0x0] =	vst.idx.msk vm1, v5  }
0x165: {  	v12 =	vld [tilespmem:s26+$0x0]  }
0x166: {  	s28 =	sadd.s32 $0xFFFFFFFF, s28  }
.LBB2_39:
0x167: {  	_ =	sdelay $0x2  }
0x168: {  	vm0 =	vge.s32 v12, v9;
	vm1 =	vlt.s32 v12, v8;
	vm2 =	vlt.s32 v12, v11  }
0x169: {  	v9 =	vsub.s32 v12, v9;
	vm15 =	vge.s32 v12, v10;
	vm0 =	vmand vm0, vm1  }
0x16a: {  	v10 =	vsub.s32 v12, v10;
	vm1 =	vmand vm15, vm2;
	v9 =	vnsel vm0, $0x0, v9  }
0x16b: {  	v10 =	vnsel vm1, $0x0, v10;
	_ =	sdelay $0x3  }
0x16c: {  	[tilespmem:v9+s15+$0x0] =	vst.idx.msk vm0, v2  }
0x16d: {  	[tilespmem:v10+s15+$0x0] =	vst.idx.msk vm1, v5  }
.LBB2_40:
0x16e: {  	s24 =	sor.u32 s5, s24  }
0x16f: {  	s24 =	sshrl.u32 s24, $0x3  }
.Ltmp31:
0x170: {  	s24 =	sadd.s32 s3, s24;
	(pc) =	sbr.rel @p0 .LBB2_44-.Ltmp31, $4  }
0x171: {  	[hbm4b:s24+s4] =	stream.linear.scatter [tilespmem:s15], [sflag:$0x3], $0x4000, $0x38;
	[tilespmem:$0x13080] =	vst v63  }
0x172: {  	_ =	swait.ge [sflag:s19], $0x4000  }
0x173: {  	[sflag:s19] =	ssyncset.done $0x0  }
0x174: {  	[sflag:s19] =	ssyncadd.s32 $0xFFFFC000  }
0x175: {  	s24 =	sadd.s32 $0x10000, s23;
	s23 =	simm.s32 $0x2000;
	p2 =	sne.s32 s21, $0x1  }
.Ltmp32:
0x176: {  	v11 =	vld [tilespmem:s23+$0x0];
	(pc) =	sbr.rel @!p2 .LBB2_43-.Ltmp32, $2  }
0x177: {  	_ =	sdelay $0x2  }
0x178: {  	v9 =	vmov s25;
	v10 =	vmov s24;
	s24 =	sadd.s32 $0xFFFFFFFF, s21  }
.LBB2_42:
0x179: {  	p2 =	sne.s32 s24, $0x1;
	_ =	sdelay $0x2  }
0x17a: {  	vm0 =	vge.s32 v11, v8;
	vm1 =	vlt.s32 v11, v7;
	vm2 =	vlt.s32 v11, v10  }
0x17b: {  	v12 =	vsub.s32 v11, v8;
	vm0 =	vmand vm0, vm1;
	vm1 =	vge.s32 v11, v9  }
0x17c: {  	v11 =	vsub.s32 v11, v9;
	v12 =	vnsel vm0, $0x0, v12;
	vm1 =	vmand vm1, vm2  }
0x17d: {  	v11 =	vnsel vm1, $0x0, v11;
	_ =	sdelay $0x2  }
.Ltmp33:
0x17e: {  	(pc) =	sbr.rel @p2 .LBB2_42-.Ltmp33, $4  }
0x17f: {  	[tilespmem:v12+s16+$0x0] =	vst.idx.msk vm0, v2  }
0x180: {  	s23 =	sadd.s32 $0x10, s23;
	[tilespmem:v11+s16+$0x0] =	vst.idx.msk vm1, v5  }
0x181: {  	v11 =	vld [tilespmem:s23+$0x0]  }
0x182: {  	s24 =	sadd.s32 $0xFFFFFFFF, s24  }
.Ltmp34:
0x183: {  	_ = 	snop;
	(pc) =	sbr.rel .LBB2_43-.Ltmp34, $1  }
0x184: {  	_ =	sdelay $0x3  }
.LBB2_46:
0x185: {  	_ =	sfence.sel $0x180000  }
0x186: {  	[bflag:$0x0] =	sbarrier.arrive $0xFFFF  }
0x187: {  	p0 =	sne.s32 s1, $0x0;
	_ =	strace $0x90000047  }
0x188: {  	s0 =	sadd.s32 @!p0 $0x100000, s0;
	[bflag:$0x2] =	sbarrier.arrive $0xFFFF  }
0x189: {  	[sflag:s0] =	ssyncadd.tile.s32 @!p0 $0x1;
	_ =	shalt  }
.Lfunc_end2:
_tile_overlayer_lowered:
.L_overlay_start_2:
0x18a: {  	(tag) =	ssettag $0x2  }
0x18b: {  	s0 =	rddreg [dreg:$0x0];
	s2 =	stileid.u32  }
0x18c: {  	s1 =	rddreg [dreg:$0x1];
	p0 =	sne.s32 s2, $0x0  }
0x18d: {  	s3 =	rddreg [dreg:$0x2];
	[bflag:$0x3] =	sbarrier.arrive $0xFFFF;
	s2 =	simm.s32 @!p0 $0x1C06  }
0x18e: {  	[timem:s3], [sflag:s2] =	dma.local @!p0 [hbm:s0], s1  }
0x18f: {  	s0 =	simm.s32 @!p0 $0x6  }
0x190: {  	_ =	swait.ge @!p0 [sflag:s0], s1  }
0x191: {  	s1 =	ssub.s32 @!p0 $0x0, s1;
	[sflag:s0] =	ssyncset.done @!p0 $0x0  }
0x192: {  	[sflag:s0] =	ssyncadd.s32 @!p0 s1  }
0x193: {  	[bflag:$0x3] =	sbarrier.arrive $0xFFFF  }
0x194: {  	_ =	shalt  }

</sc_bundles>
